<compile_context>
chip_gen: v7x
topology: tpu7x:2x2x1
jax: 0.10.2.dev20260603
libtpu: 0.0.44.dev20260713+nightly
codegen_flags: <defaults>
</compile_context>

<pallas_src>
import functools

import jax
import jax.numpy as jnp
from jax import lax
from jax.experimental import pallas as pl
from jax.experimental.pallas import tpu as pltpu
from jax.experimental.pallas import tpu_sc as plsc

B = 16384
D = 512
DQ = 256
K = 8192

TB = 1024
WINDOWS = [(0, 2736), (2736, 5472), (5472, 8192)]


def _zq_body(ze_ref, winT_ref, bin_ref, zqT_ref):
    zq = jnp.dot(ze_ref[...], winT_ref[...],
                 preferred_element_type=jnp.float32) + bin_ref[...]
    zqT_ref[...] = zq.T


def _zq_call(ze, winT, bin2d):
    return pl.pallas_call(
        _zq_body,
        grid=(B // TB,),
        in_specs=[
            pl.BlockSpec((TB, D), lambda i: (i, 0)),
            pl.BlockSpec((D, DQ), lambda i: (0, 0)),
            pl.BlockSpec((1, DQ), lambda i: (0, 0)),
        ],
        out_specs=pl.BlockSpec((DQ, TB), lambda i: (0, i)),
        out_shape=jax.ShapeDtypeStruct((DQ, B), jnp.float32),
    )(ze, winT, bin2d)


def _argmin_body(zqT_ref, cb_ref, out_ref):
    zqT = zqT_ref[...]
    zsq = jnp.sum(zqT * zqT, axis=0, keepdims=True)
    zq2 = zqT + zqT
    acc_v = jnp.full((1, TB), jnp.inf, jnp.float32)
    acc_i = jnp.zeros((1, TB), jnp.int32)
    kio_full = lax.broadcasted_iota(jnp.int32, (WINDOWS[0][1], TB), 0)
    for lo, hi in WINDOWS:
        cbw = cb_ref[pl.ds(lo, hi - lo), :]
        csq = jnp.sum(cbw * cbw, axis=1, keepdims=True)
        s2 = lax.dot_general(cbw, zq2, (((1,), (0,)), ((), ())),
                             preferred_element_type=jnp.float32)
        dist = (zsq + csq) - s2
        kio = lax.slice(kio_full, (0, 0), (hi - lo, TB))
        mw = jnp.min(dist, axis=0, keepdims=True)
        iw = jnp.min(jnp.where(dist == mw, kio, K), axis=0, keepdims=True) + lo
        upd = mw < acc_v
        acc_i = jnp.where(upd, iw, acc_i)
        mwq = mw.astype(jnp.bfloat16).astype(jnp.float32)
        acc_v = jnp.where(upd, mwq, acc_v)
    out_ref[...] = acc_i.reshape(1, 1, TB)


def _argmin_call(zqT, codebook):
    out = pl.pallas_call(
        _argmin_body,
        grid=(B // TB,),
        in_specs=[
            pl.BlockSpec((DQ, TB), lambda i: (0, i)),
            pl.BlockSpec((K, DQ), lambda i: (0, 0)),
        ],
        out_specs=pl.BlockSpec((1, 1, TB), lambda i: (i, 0, 0)),
        out_shape=jax.ShapeDtypeStruct((B // TB, 1, TB), jnp.int32),
    )(zqT, codebook)
    return out.reshape(B)


CB = 512


def _cbproj_body(cb_ref, woutT_ref, bout_ref, p_ref):
    p_ref[...] = jnp.dot(cb_ref[...], woutT_ref[...],
                         preferred_element_type=jnp.float32) + bout_ref[...]


def _cbproj_call(codebook, woutT, bout2d):
    return pl.pallas_call(
        _cbproj_body,
        grid=(K // CB,),
        in_specs=[
            pl.BlockSpec((CB, DQ), lambda i: (i, 0)),
            pl.BlockSpec((DQ, D), lambda i: (0, 0)),
            pl.BlockSpec((1, D), lambda i: (0, 0)),
        ],
        out_specs=pl.BlockSpec((CB, D), lambda i: (i, 0)),
        out_shape=jax.ShapeDtypeStruct((K, D), jnp.float32),
    )(codebook, woutT, bout2d)


NC = 2
NS = 16
NW = NC * NS
BPW = B // NW
CH = 64
NCH = BPW // CH


def _gather_body(idx_hbm, cb_hbm, p_hbm, qq_hbm, qz_hbm,
                 idx_v, r1a, r1b, r2a, r2b, s1a, s1b, s2a, s2b):
    wid = lax.axis_index("s") * NC + lax.axis_index("c")
    base = wid * BPW
    rows1, rows2 = [r1a, r1b], [r2a, r2b]
    sem1, sem2 = [s1a, s1b], [s2a, s2b]
    pltpu.sync_copy(idx_hbm.at[pl.ds(base, BPW)], idx_v)
    cps = [None, None]
    for c in range(NCH + 1):
        if c < NCH:
            b = c % 2
            sl = idx_v.at[pl.ds(c * CH, CH)]
            cps[b] = (pltpu.async_copy(cb_hbm.at[sl], rows1[b], sem1[b]),
                      pltpu.async_copy(p_hbm.at[sl], rows2[b], sem2[b]))
        if c >= 1:
            p = (c - 1) % 2
            off = base + (c - 1) * CH
            cps[p][0].wait()
            pltpu.sync_copy(rows1[p], qq_hbm.at[pl.ds(off, CH)])
            cps[p][1].wait()
            pltpu.sync_copy(rows2[p], qz_hbm.at[pl.ds(off, CH)])


@functools.cache
def _gather_call():
    return pl.kernel(
        _gather_body,
        mesh=plsc.VectorSubcoreMesh(core_axis_name="c", subcore_axis_name="s"),
        out_type=[
            jax.ShapeDtypeStruct((B, DQ), jnp.float32),
            jax.ShapeDtypeStruct((B, D), jnp.float32),
        ],
        scratch_types=[
            pltpu.VMEM((BPW,), jnp.int32),
            pltpu.VMEM((CH, DQ), jnp.float32),
            pltpu.VMEM((CH, DQ), jnp.float32),
            pltpu.VMEM((CH, D), jnp.float32),
            pltpu.VMEM((CH, D), jnp.float32),
            pltpu.SemaphoreType.DMA,
            pltpu.SemaphoreType.DMA,
            pltpu.SemaphoreType.DMA,
            pltpu.SemaphoreType.DMA,
        ],
    )


def kernel(ze, W_in, b_in, codebook, W_out, b_out):
    zqT = _zq_call(ze, W_in.T, b_in.reshape(1, DQ))
    idx = _argmin_call(zqT, codebook)
    proj_cb = _cbproj_call(codebook, W_out.T, b_out.reshape(1, D))
    qq, qz = _gather_call()(idx, codebook, proj_cb)
    zero = jnp.float32(0.0)
    return (idx[:, None], qz, qq, qq[:, None, :], zero, zero, zero)

# --- scband reference (transcript-rebuilt; emitter-appended) ---
"""Pipeline reference for scband-single-level-di-ve-q-69647189672429 (READ-ONLY COPY).

The authoritative reference and input builder live on the scoring server;
editing this copy changes nothing except your own understanding.
"""

import jax, jax.numpy as jnp
import numpy as np


def setup_inputs(seed: int = 0) -> dict:
    key = jax.random.key(seed)
    k1, k2, k3, k4, k5 = jax.random.split(key, 5)
    ze = jax.random.normal(k1, (16384, 512), dtype=jnp.float32)
    # input_projection: nn.Linear(512, 256) -> weight [256, 512], bias [256]
    W_in = jax.random.normal(k2, (256, 512), dtype=jnp.float32) * 0.02
    b_in = jnp.zeros((256,), dtype=jnp.float32)
    # codebook: [8192, 256]
    codebook = jax.random.normal(k3, (8192, 256), dtype=jnp.float32) * 0.02
    # output_projection: nn.Linear(256, 512) -> weight [512, 256], bias [512]
    W_out = jax.random.normal(k4, (512, 256), dtype=jnp.float32) * 0.02
    b_out = jnp.zeros((512,), dtype=jnp.float32)
    return {"ze": ze, "W_in": W_in, "b_in": b_in, "codebook": codebook, "W_out": W_out, "b_out": b_out}


def reference(ze, W_in, b_in, codebook, W_out, b_out):
    # project in
    ze_qspace = ze @ W_in.T + b_in
    # squared L2 distances to codebook entries
    ze_sq = jnp.sum(ze_qspace ** 2, axis=1, keepdims=True)            # [B, 1]
    codebook_sq = jnp.sum(codebook ** 2, axis=1)[None, :]             # [1, K]
    distances = ze_sq + codebook_sq - 2.0 * (ze_qspace @ codebook.T)  # [B, K]
    indices = jnp.argmin(distances, axis=1)                           # [B]
    quantized_qspace = jnp.take(codebook, indices, axis=0)            # embedding lookup
    # straight-through estimator
    quantized_qspace = ze_qspace + jax.lax.stop_gradient(quantized_qspace - ze_qspace)
    # project out
    quantized = quantized_qspace @ W_out.T + b_out
    zero = jnp.float32(0.0)
    return (indices[:, None], quantized, quantized_qspace, quantized_qspace[:, None, :], zero, zero, zero)

if __name__ == "__main__":
    import jax
    _d = setup_inputs()
    print(jax.jit(kernel)(*tuple(_d.values())))

</pallas_src>

<mosaic_0001>
#map = affine_map<(d0, d1) -> (0)>
#map1 = affine_map<(d0, d1) -> (0, 0)>
module attributes {stable_mosaic.version = 14 : i64} {
  func.func @_gather_body(%arg0: i32, %arg1: i32, %arg2: memref<16384xi32, #tpu.memory_space<hbm>>, %arg3: memref<8192x256xf32, #tpu.memory_space<hbm>>, %arg4: memref<8192x512xf32, #tpu.memory_space<hbm>>, %arg5: memref<16384x256xf32, #tpu.memory_space<hbm>>, %arg6: memref<16384x512xf32, #tpu.memory_space<hbm>>, %arg7: memref<512xi32, #tpu.memory_space<vmem>>, %arg8: memref<64x256xf32, #tpu.memory_space<vmem>>, %arg9: memref<64x256xf32, #tpu.memory_space<vmem>>, %arg10: memref<64x512xf32, #tpu.memory_space<vmem>>, %arg11: memref<64x512xf32, #tpu.memory_space<vmem>>, %arg12: memref<!tpu.dma_semaphore, #tpu.memory_space<semaphore_mem>>, %arg13: memref<!tpu.dma_semaphore, #tpu.memory_space<semaphore_mem>>, %arg14: memref<!tpu.dma_semaphore, #tpu.memory_space<semaphore_mem>>, %arg15: memref<!tpu.dma_semaphore, #tpu.memory_space<semaphore_mem>>) attributes {dimension_semantics = [#tpu.dimension_semantics<core_parallel>, #tpu.dimension_semantics<subcore_parallel>], iteration_bounds = array<i64: 2, 16>, scalar_prefetch = 0 : i64, scratch_operands = 9 : i64, tpu.core_type = #tpu.core_type<sc_vector_subcore>, window_params = [{transform_indices = #map}, {transform_indices = #map1}, {transform_indices = #map1}, {transform_indices = #map1}, {transform_indices = #map1}]} {
    %mul3A = arith.constant 2 : i32
    %mul3A_0 = arith.muli %arg1, %mul3A : i32
    %add3A = arith.addi %mul3A_0, %arg0 : i32
    %mul3A_1 = arith.constant 512 : i32
    %mul3A_2 = arith.muli %add3A, %mul3A_1 : i32
    "tpu.region"() ({
      %run_scoped3A = tpu.sem_alloc : memref<!tpu.dma_semaphore, #tpu.memory_space<semaphore_mem>>
      %dma_start3A_177 = tpu.memref_slice %arg2[%mul3A_2] : memref<16384xi32, #tpu.memory_space<hbm>> -> memref<512xi32, #tpu.memory_space<hbm>>
      %dma_start3A_178 = tpu.memref_slice %arg2[%mul3A_2] : memref<16384xi32, #tpu.memory_space<hbm>> -> memref<512xi32, #tpu.memory_space<hbm>>
      tpu.enqueue_dma source(%dma_start3A_178 : memref<512xi32, #tpu.memory_space<hbm>>) target(%arg7 : memref<512xi32, #tpu.memory_space<vmem>>) target_semaphore(%run_scoped3A : memref<!tpu.dma_semaphore, #tpu.memory_space<semaphore_mem>>)
      %dma_wait3A_179 = tpu.memref_slice %arg2[%mul3A_2] : memref<16384xi32, #tpu.memory_space<hbm>> -> memref<512xi32, #tpu.memory_space<hbm>>
      %dma_wait3A_180 = tpu.memref_slice %arg2[%mul3A_2] : memref<16384xi32, #tpu.memory_space<hbm>> -> memref<512xi32, #tpu.memory_space<hbm>>
      tpu.wait_dma2 semaphore(%run_scoped3A : memref<!tpu.dma_semaphore, #tpu.memory_space<semaphore_mem>>) src(%dma_wait3A_180 : memref<512xi32, #tpu.memory_space<hbm>>) dst(%arg7 : memref<512xi32, #tpu.memory_space<vmem>>)
      tpu.yield
    }) : () -> ()
    %dma_start3A = arith.constant 0 : i32
    %dma_start3A_3 = tpu.memref_slice %arg7[%dma_start3A] : memref<512xi32, #tpu.memory_space<vmem>> -> memref<64xi32, #tpu.memory_space<vmem>>
    %dma_start3A_4 = arith.constant 0 : i32
    %dma_start3A_5 = arith.constant 0 : i32
    %dma_start3A_6 = tpu.memref_slice %arg3[%dma_start3A_4, %dma_start3A_5] : memref<8192x256xf32, #tpu.memory_space<hbm>> -> memref<8192x256xf32, #tpu.memory_space<hbm>>
    tpu.enqueue_indirect_dma source(%dma_start3A_6 : memref<8192x256xf32, #tpu.memory_space<hbm>>) target(%arg8 : memref<64x256xf32, #tpu.memory_space<vmem>>) offsets(%dma_start3A_3 : memref<64xi32, #tpu.memory_space<vmem>>) semaphore(%arg12 : memref<!tpu.dma_semaphore, #tpu.memory_space<semaphore_mem>>)
    %dma_start3A_7 = arith.constant 0 : i32
    %dma_start3A_8 = tpu.memref_slice %arg7[%dma_start3A_7] : memref<512xi32, #tpu.memory_space<vmem>> -> memref<64xi32, #tpu.memory_space<vmem>>
    %dma_start3A_9 = arith.constant 0 : i32
    %dma_start3A_10 = arith.constant 0 : i32
    %dma_start3A_11 = tpu.memref_slice %arg4[%dma_start3A_9, %dma_start3A_10] : memref<8192x512xf32, #tpu.memory_space<hbm>> -> memref<8192x512xf32, #tpu.memory_space<hbm>>
    tpu.enqueue_indirect_dma source(%dma_start3A_11 : memref<8192x512xf32, #tpu.memory_space<hbm>>) target(%arg10 : memref<64x512xf32, #tpu.memory_space<vmem>>) offsets(%dma_start3A_8 : memref<64xi32, #tpu.memory_space<vmem>>) semaphore(%arg14 : memref<!tpu.dma_semaphore, #tpu.memory_space<semaphore_mem>>)
    %dma_start3A_12 = arith.constant 64 : i32
    %dma_start3A_13 = tpu.memref_slice %arg7[%dma_start3A_12] : memref<512xi32, #tpu.memory_space<vmem>> -> memref<64xi32, #tpu.memory_space<vmem>>
    %dma_start3A_14 = arith.constant 0 : i32
    %dma_start3A_15 = arith.constant 0 : i32
    %dma_start3A_16 = tpu.memref_slice %arg3[%dma_start3A_14, %dma_start3A_15] : memref<8192x256xf32, #tpu.memory_space<hbm>> -> memref<8192x256xf32, #tpu.memory_space<hbm>>
    tpu.enqueue_indirect_dma source(%dma_start3A_16 : memref<8192x256xf32, #tpu.memory_space<hbm>>) target(%arg9 : memref<64x256xf32, #tpu.memory_space<vmem>>) offsets(%dma_start3A_13 : memref<64xi32, #tpu.memory_space<vmem>>) semaphore(%arg13 : memref<!tpu.dma_semaphore, #tpu.memory_space<semaphore_mem>>)
    %dma_start3A_17 = arith.constant 64 : i32
    %dma_start3A_18 = tpu.memref_slice %arg7[%dma_start3A_17] : memref<512xi32, #tpu.memory_space<vmem>> -> memref<64xi32, #tpu.memory_space<vmem>>
    %dma_start3A_19 = arith.constant 0 : i32
    %dma_start3A_20 = arith.constant 0 : i32
    %dma_start3A_21 = tpu.memref_slice %arg4[%dma_start3A_19, %dma_start3A_20] : memref<8192x512xf32, #tpu.memory_space<hbm>> -> memref<8192x512xf32, #tpu.memory_space<hbm>>
    tpu.enqueue_indirect_dma source(%dma_start3A_21 : memref<8192x512xf32, #tpu.memory_space<hbm>>) target(%arg11 : memref<64x512xf32, #tpu.memory_space<vmem>>) offsets(%dma_start3A_18 : memref<64xi32, #tpu.memory_space<vmem>>) semaphore(%arg15 : memref<!tpu.dma_semaphore, #tpu.memory_space<semaphore_mem>>)
    %add3A_22 = arith.constant 0 : i32
    %add3A_23 = arith.addi %mul3A_2, %add3A_22 : i32
    %dma_wait3A = arith.constant 0 : i32
    %dma_wait3A_24 = tpu.memref_slice %arg7[%dma_wait3A] : memref<512xi32, #tpu.memory_space<vmem>> -> memref<64xi32, #tpu.memory_space<vmem>>
    %dma_wait3A_25 = arith.constant 0 : i32
    %dma_wait3A_26 = arith.constant 0 : i32
    %dma_wait3A_27 = tpu.memref_slice %arg3[%dma_wait3A_25, %dma_wait3A_26] : memref<8192x256xf32, #tpu.memory_space<hbm>> -> memref<8192x256xf32, #tpu.memory_space<hbm>>
    tpu.wait_indirect_dma semaphore(%arg12 : memref<!tpu.dma_semaphore, #tpu.memory_space<semaphore_mem>>) src(%dma_wait3A_27 : memref<8192x256xf32, #tpu.memory_space<hbm>>) dst(%arg8 : memref<64x256xf32, #tpu.memory_space<vmem>>)
    "tpu.region"() ({
      %run_scoped3A = tpu.sem_alloc : memref<!tpu.dma_semaphore, #tpu.memory_space<semaphore_mem>>
      %dma_start3A_177 = arith.constant 0 : i32
      %dma_start3A_178 = tpu.memref_slice %arg5[%add3A_23, %dma_start3A_177] : memref<16384x256xf32, #tpu.memory_space<hbm>> -> memref<64x256xf32, #tpu.memory_space<hbm>>
      %dma_start3A_179 = arith.constant 0 : i32
      %dma_start3A_180 = tpu.memref_slice %arg5[%add3A_23, %dma_start3A_179] : memref<16384x256xf32, #tpu.memory_space<hbm>> -> memref<64x256xf32, #tpu.memory_space<hbm>>
      tpu.enqueue_dma source(%arg8 : memref<64x256xf32, #tpu.memory_space<vmem>>) target(%dma_start3A_180 : memref<64x256xf32, #tpu.memory_space<hbm>>) target_semaphore(%run_scoped3A : memref<!tpu.dma_semaphore, #tpu.memory_space<semaphore_mem>>)
      %dma_wait3A_181 = arith.constant 0 : i32
      %dma_wait3A_182 = tpu.memref_slice %arg5[%add3A_23, %dma_wait3A_181] : memref<16384x256xf32, #tpu.memory_space<hbm>> -> memref<64x256xf32, #tpu.memory_space<hbm>>
      %dma_wait3A_183 = arith.constant 0 : i32
      %dma_wait3A_184 = tpu.memref_slice %arg5[%add3A_23, %dma_wait3A_183] : memref<16384x256xf32, #tpu.memory_space<hbm>> -> memref<64x256xf32, #tpu.memory_space<hbm>>
      tpu.wait_dma2 semaphore(%run_scoped3A : memref<!tpu.dma_semaphore, #tpu.memory_space<semaphore_mem>>) src(%arg8 : memref<64x256xf32, #tpu.memory_space<vmem>>) dst(%dma_wait3A_184 : memref<64x256xf32, #tpu.memory_space<hbm>>)
      tpu.yield
    }) : () -> ()
    %dma_wait3A_28 = arith.constant 0 : i32
    %dma_wait3A_29 = tpu.memref_slice %arg7[%dma_wait3A_28] : memref<512xi32, #tpu.memory_space<vmem>> -> memref<64xi32, #tpu.memory_space<vmem>>
    %dma_wait3A_30 = arith.constant 0 : i32
    %dma_wait3A_31 = arith.constant 0 : i32
    %dma_wait3A_32 = tpu.memref_slice %arg4[%dma_wait3A_30, %dma_wait3A_31] : memref<8192x512xf32, #tpu.memory_space<hbm>> -> memref<8192x512xf32, #tpu.memory_space<hbm>>
    tpu.wait_indirect_dma semaphore(%arg14 : memref<!tpu.dma_semaphore, #tpu.memory_space<semaphore_mem>>) src(%dma_wait3A_32 : memref<8192x512xf32, #tpu.memory_space<hbm>>) dst(%arg10 : memref<64x512xf32, #tpu.memory_space<vmem>>)
    "tpu.region"() ({
      %run_scoped3A = tpu.sem_alloc : memref<!tpu.dma_semaphore, #tpu.memory_space<semaphore_mem>>
      %dma_start3A_177 = arith.constant 0 : i32
      %dma_start3A_178 = tpu.memref_slice %arg6[%add3A_23, %dma_start3A_177] : memref<16384x512xf32, #tpu.memory_space<hbm>> -> memref<64x512xf32, #tpu.memory_space<hbm>>
      %dma_start3A_179 = arith.constant 0 : i32
      %dma_start3A_180 = tpu.memref_slice %arg6[%add3A_23, %dma_start3A_179] : memref<16384x512xf32, #tpu.memory_space<hbm>> -> memref<64x512xf32, #tpu.memory_space<hbm>>
      tpu.enqueue_dma source(%arg10 : memref<64x512xf32, #tpu.memory_space<vmem>>) target(%dma_start3A_180 : memref<64x512xf32, #tpu.memory_space<hbm>>) target_semaphore(%run_scoped3A : memref<!tpu.dma_semaphore, #tpu.memory_space<semaphore_mem>>)
      %dma_wait3A_181 = arith.constant 0 : i32
      %dma_wait3A_182 = tpu.memref_slice %arg6[%add3A_23, %dma_wait3A_181] : memref<16384x512xf32, #tpu.memory_space<hbm>> -> memref<64x512xf32, #tpu.memory_space<hbm>>
      %dma_wait3A_183 = arith.constant 0 : i32
      %dma_wait3A_184 = tpu.memref_slice %arg6[%add3A_23, %dma_wait3A_183] : memref<16384x512xf32, #tpu.memory_space<hbm>> -> memref<64x512xf32, #tpu.memory_space<hbm>>
      tpu.wait_dma2 semaphore(%run_scoped3A : memref<!tpu.dma_semaphore, #tpu.memory_space<semaphore_mem>>) src(%arg10 : memref<64x512xf32, #tpu.memory_space<vmem>>) dst(%dma_wait3A_184 : memref<64x512xf32, #tpu.memory_space<hbm>>)
      tpu.yield
    }) : () -> ()
    %dma_start3A_33 = arith.constant 128 : i32
    %dma_start3A_34 = tpu.memref_slice %arg7[%dma_start3A_33] : memref<512xi32, #tpu.memory_space<vmem>> -> memref<64xi32, #tpu.memory_space<vmem>>
    %dma_start3A_35 = arith.constant 0 : i32
    %dma_start3A_36 = arith.constant 0 : i32
    %dma_start3A_37 = tpu.memref_slice %arg3[%dma_start3A_35, %dma_start3A_36] : memref<8192x256xf32, #tpu.memory_space<hbm>> -> memref<8192x256xf32, #tpu.memory_space<hbm>>
    tpu.enqueue_indirect_dma source(%dma_start3A_37 : memref<8192x256xf32, #tpu.memory_space<hbm>>) target(%arg8 : memref<64x256xf32, #tpu.memory_space<vmem>>) offsets(%dma_start3A_34 : memref<64xi32, #tpu.memory_space<vmem>>) semaphore(%arg12 : memref<!tpu.dma_semaphore, #tpu.memory_space<semaphore_mem>>)
    %dma_start3A_38 = arith.constant 128 : i32
    %dma_start3A_39 = tpu.memref_slice %arg7[%dma_start3A_38] : memref<512xi32, #tpu.memory_space<vmem>> -> memref<64xi32, #tpu.memory_space<vmem>>
    %dma_start3A_40 = arith.constant 0 : i32
    %dma_start3A_41 = arith.constant 0 : i32
    %dma_start3A_42 = tpu.memref_slice %arg4[%dma_start3A_40, %dma_start3A_41] : memref<8192x512xf32, #tpu.memory_space<hbm>> -> memref<8192x512xf32, #tpu.memory_space<hbm>>
    tpu.enqueue_indirect_dma source(%dma_start3A_42 : memref<8192x512xf32, #tpu.memory_space<hbm>>) target(%arg10 : memref<64x512xf32, #tpu.memory_space<vmem>>) offsets(%dma_start3A_39 : memref<64xi32, #tpu.memory_space<vmem>>) semaphore(%arg14 : memref<!tpu.dma_semaphore, #tpu.memory_space<semaphore_mem>>)
    %add3A_43 = arith.constant 64 : i32
    %add3A_44 = arith.addi %mul3A_2, %add3A_43 : i32
    %dma_wait3A_45 = arith.constant 64 : i32
    %dma_wait3A_46 = tpu.memref_slice %arg7[%dma_wait3A_45] : memref<512xi32, #tpu.memory_space<vmem>> -> memref<64xi32, #tpu.memory_space<vmem>>
    %dma_wait3A_47 = arith.constant 0 : i32
    %dma_wait3A_48 = arith.constant 0 : i32
    %dma_wait3A_49 = tpu.memref_slice %arg3[%dma_wait3A_47, %dma_wait3A_48] : memref<8192x256xf32, #tpu.memory_space<hbm>> -> memref<8192x256xf32, #tpu.memory_space<hbm>>
    tpu.wait_indirect_dma semaphore(%arg13 : memref<!tpu.dma_semaphore, #tpu.memory_space<semaphore_mem>>) src(%dma_wait3A_49 : memref<8192x256xf32, #tpu.memory_space<hbm>>) dst(%arg9 : memref<64x256xf32, #tpu.memory_space<vmem>>)
    "tpu.region"() ({
      %run_scoped3A = tpu.sem_alloc : memref<!tpu.dma_semaphore, #tpu.memory_space<semaphore_mem>>
      %dma_start3A_177 = arith.constant 0 : i32
      %dma_start3A_178 = tpu.memref_slice %arg5[%add3A_44, %dma_start3A_177] : memref<16384x256xf32, #tpu.memory_space<hbm>> -> memref<64x256xf32, #tpu.memory_space<hbm>>
      %dma_start3A_179 = arith.constant 0 : i32
      %dma_start3A_180 = tpu.memref_slice %arg5[%add3A_44, %dma_start3A_179] : memref<16384x256xf32, #tpu.memory_space<hbm>> -> memref<64x256xf32, #tpu.memory_space<hbm>>
      tpu.enqueue_dma source(%arg9 : memref<64x256xf32, #tpu.memory_space<vmem>>) target(%dma_start3A_180 : memref<64x256xf32, #tpu.memory_space<hbm>>) target_semaphore(%run_scoped3A : memref<!tpu.dma_semaphore, #tpu.memory_space<semaphore_mem>>)
      %dma_wait3A_181 = arith.constant 0 : i32
      %dma_wait3A_182 = tpu.memref_slice %arg5[%add3A_44, %dma_wait3A_181] : memref<16384x256xf32, #tpu.memory_space<hbm>> -> memref<64x256xf32, #tpu.memory_space<hbm>>
      %dma_wait3A_183 = arith.constant 0 : i32
      %dma_wait3A_184 = tpu.memref_slice %arg5[%add3A_44, %dma_wait3A_183] : memref<16384x256xf32, #tpu.memory_space<hbm>> -> memref<64x256xf32, #tpu.memory_space<hbm>>
      tpu.wait_dma2 semaphore(%run_scoped3A : memref<!tpu.dma_semaphore, #tpu.memory_space<semaphore_mem>>) src(%arg9 : memref<64x256xf32, #tpu.memory_space<vmem>>) dst(%dma_wait3A_184 : memref<64x256xf32, #tpu.memory_space<hbm>>)
      tpu.yield
    }) : () -> ()
    %dma_wait3A_50 = arith.constant 64 : i32
    %dma_wait3A_51 = tpu.memref_slice %arg7[%dma_wait3A_50] : memref<512xi32, #tpu.memory_space<vmem>> -> memref<64xi32, #tpu.memory_space<vmem>>
    %dma_wait3A_52 = arith.constant 0 : i32
    %dma_wait3A_53 = arith.constant 0 : i32
    %dma_wait3A_54 = tpu.memref_slice %arg4[%dma_wait3A_52, %dma_wait3A_53] : memref<8192x512xf32, #tpu.memory_space<hbm>> -> memref<8192x512xf32, #tpu.memory_space<hbm>>
    tpu.wait_indirect_dma semaphore(%arg15 : memref<!tpu.dma_semaphore, #tpu.memory_space<semaphore_mem>>) src(%dma_wait3A_54 : memref<8192x512xf32, #tpu.memory_space<hbm>>) dst(%arg11 : memref<64x512xf32, #tpu.memory_space<vmem>>)
    "tpu.region"() ({
      %run_scoped3A = tpu.sem_alloc : memref<!tpu.dma_semaphore, #tpu.memory_space<semaphore_mem>>
      %dma_start3A_177 = arith.constant 0 : i32
      %dma_start3A_178 = tpu.memref_slice %arg6[%add3A_44, %dma_start3A_177] : memref<16384x512xf32, #tpu.memory_space<hbm>> -> memref<64x512xf32, #tpu.memory_space<hbm>>
      %dma_start3A_179 = arith.constant 0 : i32
      %dma_start3A_180 = tpu.memref_slice %arg6[%add3A_44, %dma_start3A_179] : memref<16384x512xf32, #tpu.memory_space<hbm>> -> memref<64x512xf32, #tpu.memory_space<hbm>>
      tpu.enqueue_dma source(%arg11 : memref<64x512xf32, #tpu.memory_space<vmem>>) target(%dma_start3A_180 : memref<64x512xf32, #tpu.memory_space<hbm>>) target_semaphore(%run_scoped3A : memref<!tpu.dma_semaphore, #tpu.memory_space<semaphore_mem>>)
      %dma_wait3A_181 = arith.constant 0 : i32
      %dma_wait3A_182 = tpu.memref_slice %arg6[%add3A_44, %dma_wait3A_181] : memref<16384x512xf32, #tpu.memory_space<hbm>> -> memref<64x512xf32, #tpu.memory_space<hbm>>
      %dma_wait3A_183 = arith.constant 0 : i32
      %dma_wait3A_184 = tpu.memref_slice %arg6[%add3A_44, %dma_wait3A_183] : memref<16384x512xf32, #tpu.memory_space<hbm>> -> memref<64x512xf32, #tpu.memory_space<hbm>>
      tpu.wait_dma2 semaphore(%run_scoped3A : memref<!tpu.dma_semaphore, #tpu.memory_space<semaphore_mem>>) src(%arg11 : memref<64x512xf32, #tpu.memory_space<vmem>>) dst(%dma_wait3A_184 : memref<64x512xf32, #tpu.memory_space<hbm>>)
      tpu.yield
    }) : () -> ()
    %dma_start3A_55 = arith.constant 192 : i32
    %dma_start3A_56 = tpu.memref_slice %arg7[%dma_start3A_55] : memref<512xi32, #tpu.memory_space<vmem>> -> memref<64xi32, #tpu.memory_space<vmem>>
    %dma_start3A_57 = arith.constant 0 : i32
    %dma_start3A_58 = arith.constant 0 : i32
    %dma_start3A_59 = tpu.memref_slice %arg3[%dma_start3A_57, %dma_start3A_58] : memref<8192x256xf32, #tpu.memory_space<hbm>> -> memref<8192x256xf32, #tpu.memory_space<hbm>>
    tpu.enqueue_indirect_dma source(%dma_start3A_59 : memref<8192x256xf32, #tpu.memory_space<hbm>>) target(%arg9 : memref<64x256xf32, #tpu.memory_space<vmem>>) offsets(%dma_start3A_56 : memref<64xi32, #tpu.memory_space<vmem>>) semaphore(%arg13 : memref<!tpu.dma_semaphore, #tpu.memory_space<semaphore_mem>>)
    %dma_start3A_60 = arith.constant 192 : i32
    %dma_start3A_61 = tpu.memref_slice %arg7[%dma_start3A_60] : memref<512xi32, #tpu.memory_space<vmem>> -> memref<64xi32, #tpu.memory_space<vmem>>
    %dma_start3A_62 = arith.constant 0 : i32
    %dma_start3A_63 = arith.constant 0 : i32
    %dma_start3A_64 = tpu.memref_slice %arg4[%dma_start3A_62, %dma_start3A_63] : memref<8192x512xf32, #tpu.memory_space<hbm>> -> memref<8192x512xf32, #tpu.memory_space<hbm>>
    tpu.enqueue_indirect_dma source(%dma_start3A_64 : memref<8192x512xf32, #tpu.memory_space<hbm>>) target(%arg11 : memref<64x512xf32, #tpu.memory_space<vmem>>) offsets(%dma_start3A_61 : memref<64xi32, #tpu.memory_space<vmem>>) semaphore(%arg15 : memref<!tpu.dma_semaphore, #tpu.memory_space<semaphore_mem>>)
    %add3A_65 = arith.constant 128 : i32
    %add3A_66 = arith.addi %mul3A_2, %add3A_65 : i32
    %dma_wait3A_67 = arith.constant 128 : i32
    %dma_wait3A_68 = tpu.memref_slice %arg7[%dma_wait3A_67] : memref<512xi32, #tpu.memory_space<vmem>> -> memref<64xi32, #tpu.memory_space<vmem>>
    %dma_wait3A_69 = arith.constant 0 : i32
    %dma_wait3A_70 = arith.constant 0 : i32
    %dma_wait3A_71 = tpu.memref_slice %arg3[%dma_wait3A_69, %dma_wait3A_70] : memref<8192x256xf32, #tpu.memory_space<hbm>> -> memref<8192x256xf32, #tpu.memory_space<hbm>>
    tpu.wait_indirect_dma semaphore(%arg12 : memref<!tpu.dma_semaphore, #tpu.memory_space<semaphore_mem>>) src(%dma_wait3A_71 : memref<8192x256xf32, #tpu.memory_space<hbm>>) dst(%arg8 : memref<64x256xf32, #tpu.memory_space<vmem>>)
    "tpu.region"() ({
      %run_scoped3A = tpu.sem_alloc : memref<!tpu.dma_semaphore, #tpu.memory_space<semaphore_mem>>
      %dma_start3A_177 = arith.constant 0 : i32
      %dma_start3A_178 = tpu.memref_slice %arg5[%add3A_66, %dma_start3A_177] : memref<16384x256xf32, #tpu.memory_space<hbm>> -> memref<64x256xf32, #tpu.memory_space<hbm>>
      %dma_start3A_179 = arith.constant 0 : i32
      %dma_start3A_180 = tpu.memref_slice %arg5[%add3A_66, %dma_start3A_179] : memref<16384x256xf32, #tpu.memory_space<hbm>> -> memref<64x256xf32, #tpu.memory_space<hbm>>
      tpu.enqueue_dma source(%arg8 : memref<64x256xf32, #tpu.memory_space<vmem>>) target(%dma_start3A_180 : memref<64x256xf32, #tpu.memory_space<hbm>>) target_semaphore(%run_scoped3A : memref<!tpu.dma_semaphore, #tpu.memory_space<semaphore_mem>>)
      %dma_wait3A_181 = arith.constant 0 : i32
      %dma_wait3A_182 = tpu.memref_slice %arg5[%add3A_66, %dma_wait3A_181] : memref<16384x256xf32, #tpu.memory_space<hbm>> -> memref<64x256xf32, #tpu.memory_space<hbm>>
      %dma_wait3A_183 = arith.constant 0 : i32
      %dma_wait3A_184 = tpu.memref_slice %arg5[%add3A_66, %dma_wait3A_183] : memref<16384x256xf32, #tpu.memory_space<hbm>> -> memref<64x256xf32, #tpu.memory_space<hbm>>
      tpu.wait_dma2 semaphore(%run_scoped3A : memref<!tpu.dma_semaphore, #tpu.memory_space<semaphore_mem>>) src(%arg8 : memref<64x256xf32, #tpu.memory_space<vmem>>) dst(%dma_wait3A_184 : memref<64x256xf32, #tpu.memory_space<hbm>>)
      tpu.yield
    }) : () -> ()
    %dma_wait3A_72 = arith.constant 128 : i32
    %dma_wait3A_73 = tpu.memref_slice %arg7[%dma_wait3A_72] : memref<512xi32, #tpu.memory_space<vmem>> -> memref<64xi32, #tpu.memory_space<vmem>>
    %dma_wait3A_74 = arith.constant 0 : i32
    %dma_wait3A_75 = arith.constant 0 : i32
    %dma_wait3A_76 = tpu.memref_slice %arg4[%dma_wait3A_74, %dma_wait3A_75] : memref<8192x512xf32, #tpu.memory_space<hbm>> -> memref<8192x512xf32, #tpu.memory_space<hbm>>
    tpu.wait_indirect_dma semaphore(%arg14 : memref<!tpu.dma_semaphore, #tpu.memory_space<semaphore_mem>>) src(%dma_wait3A_76 : memref<8192x512xf32, #tpu.memory_space<hbm>>) dst(%arg10 : memref<64x512xf32, #tpu.memory_space<vmem>>)
    "tpu.region"() ({
      %run_scoped3A = tpu.sem_alloc : memref<!tpu.dma_semaphore, #tpu.memory_space<semaphore_mem>>
      %dma_start3A_177 = arith.constant 0 : i32
      %dma_start3A_178 = tpu.memref_slice %arg6[%add3A_66, %dma_start3A_177] : memref<16384x512xf32, #tpu.memory_space<hbm>> -> memref<64x512xf32, #tpu.memory_space<hbm>>
      %dma_start3A_179 = arith.constant 0 : i32
      %dma_start3A_180 = tpu.memref_slice %arg6[%add3A_66, %dma_start3A_179] : memref<16384x512xf32, #tpu.memory_space<hbm>> -> memref<64x512xf32, #tpu.memory_space<hbm>>
      tpu.enqueue_dma source(%arg10 : memref<64x512xf32, #tpu.memory_space<vmem>>) target(%dma_start3A_180 : memref<64x512xf32, #tpu.memory_space<hbm>>) target_semaphore(%run_scoped3A : memref<!tpu.dma_semaphore, #tpu.memory_space<semaphore_mem>>)
      %dma_wait3A_181 = arith.constant 0 : i32
      %dma_wait3A_182 = tpu.memref_slice %arg6[%add3A_66, %dma_wait3A_181] : memref<16384x512xf32, #tpu.memory_space<hbm>> -> memref<64x512xf32, #tpu.memory_space<hbm>>
      %dma_wait3A_183 = arith.constant 0 : i32
      %dma_wait3A_184 = tpu.memref_slice %arg6[%add3A_66, %dma_wait3A_183] : memref<16384x512xf32, #tpu.memory_space<hbm>> -> memref<64x512xf32, #tpu.memory_space<hbm>>
      tpu.wait_dma2 semaphore(%run_scoped3A : memref<!tpu.dma_semaphore, #tpu.memory_space<semaphore_mem>>) src(%arg10 : memref<64x512xf32, #tpu.memory_space<vmem>>) dst(%dma_wait3A_184 : memref<64x512xf32, #tpu.memory_space<hbm>>)
      tpu.yield
    }) : () -> ()
    %dma_start3A_77 = arith.constant 256 : i32
    %dma_start3A_78 = tpu.memref_slice %arg7[%dma_start3A_77] : memref<512xi32, #tpu.memory_space<vmem>> -> memref<64xi32, #tpu.memory_space<vmem>>
    %dma_start3A_79 = arith.constant 0 : i32
    %dma_start3A_80 = arith.constant 0 : i32
    %dma_start3A_81 = tpu.memref_slice %arg3[%dma_start3A_79, %dma_start3A_80] : memref<8192x256xf32, #tpu.memory_space<hbm>> -> memref<8192x256xf32, #tpu.memory_space<hbm>>
    tpu.enqueue_indirect_dma source(%dma_start3A_81 : memref<8192x256xf32, #tpu.memory_space<hbm>>) target(%arg8 : memref<64x256xf32, #tpu.memory_space<vmem>>) offsets(%dma_start3A_78 : memref<64xi32, #tpu.memory_space<vmem>>) semaphore(%arg12 : memref<!tpu.dma_semaphore, #tpu.memory_space<semaphore_mem>>)
    %dma_start3A_82 = arith.constant 256 : i32
    %dma_start3A_83 = tpu.memref_slice %arg7[%dma_start3A_82] : memref<512xi32, #tpu.memory_space<vmem>> -> memref<64xi32, #tpu.memory_space<vmem>>
    %dma_start3A_84 = arith.constant 0 : i32
    %dma_start3A_85 = arith.constant 0 : i32
    %dma_start3A_86 = tpu.memref_slice %arg4[%dma_start3A_84, %dma_start3A_85] : memref<8192x512xf32, #tpu.memory_space<hbm>> -> memref<8192x512xf32, #tpu.memory_space<hbm>>
    tpu.enqueue_indirect_dma source(%dma_start3A_86 : memref<8192x512xf32, #tpu.memory_space<hbm>>) target(%arg10 : memref<64x512xf32, #tpu.memory_space<vmem>>) offsets(%dma_start3A_83 : memref<64xi32, #tpu.memory_space<vmem>>) semaphore(%arg14 : memref<!tpu.dma_semaphore, #tpu.memory_space<semaphore_mem>>)
    %add3A_87 = arith.constant 192 : i32
    %add3A_88 = arith.addi %mul3A_2, %add3A_87 : i32
    %dma_wait3A_89 = arith.constant 192 : i32
    %dma_wait3A_90 = tpu.memref_slice %arg7[%dma_wait3A_89] : memref<512xi32, #tpu.memory_space<vmem>> -> memref<64xi32, #tpu.memory_space<vmem>>
    %dma_wait3A_91 = arith.constant 0 : i32
    %dma_wait3A_92 = arith.constant 0 : i32
    %dma_wait3A_93 = tpu.memref_slice %arg3[%dma_wait3A_91, %dma_wait3A_92] : memref<8192x256xf32, #tpu.memory_space<hbm>> -> memref<8192x256xf32, #tpu.memory_space<hbm>>
    tpu.wait_indirect_dma semaphore(%arg13 : memref<!tpu.dma_semaphore, #tpu.memory_space<semaphore_mem>>) src(%dma_wait3A_93 : memref<8192x256xf32, #tpu.memory_space<hbm>>) dst(%arg9 : memref<64x256xf32, #tpu.memory_space<vmem>>)
    "tpu.region"() ({
      %run_scoped3A = tpu.sem_alloc : memref<!tpu.dma_semaphore, #tpu.memory_space<semaphore_mem>>
      %dma_start3A_177 = arith.constant 0 : i32
      %dma_start3A_178 = tpu.memref_slice %arg5[%add3A_88, %dma_start3A_177] : memref<16384x256xf32, #tpu.memory_space<hbm>> -> memref<64x256xf32, #tpu.memory_space<hbm>>
      %dma_start3A_179 = arith.constant 0 : i32
      %dma_start3A_180 = tpu.memref_slice %arg5[%add3A_88, %dma_start3A_179] : memref<16384x256xf32, #tpu.memory_space<hbm>> -> memref<64x256xf32, #tpu.memory_space<hbm>>
      tpu.enqueue_dma source(%arg9 : memref<64x256xf32, #tpu.memory_space<vmem>>) target(%dma_start3A_180 : memref<64x256xf32, #tpu.memory_space<hbm>>) target_semaphore(%run_scoped3A : memref<!tpu.dma_semaphore, #tpu.memory_space<semaphore_mem>>)
      %dma_wait3A_181 = arith.constant 0 : i32
      %dma_wait3A_182 = tpu.memref_slice %arg5[%add3A_88, %dma_wait3A_181] : memref<16384x256xf32, #tpu.memory_space<hbm>> -> memref<64x256xf32, #tpu.memory_space<hbm>>
      %dma_wait3A_183 = arith.constant 0 : i32
      %dma_wait3A_184 = tpu.memref_slice %arg5[%add3A_88, %dma_wait3A_183] : memref<16384x256xf32, #tpu.memory_space<hbm>> -> memref<64x256xf32, #tpu.memory_space<hbm>>
      tpu.wait_dma2 semaphore(%run_scoped3A : memref<!tpu.dma_semaphore, #tpu.memory_space<semaphore_mem>>) src(%arg9 : memref<64x256xf32, #tpu.memory_space<vmem>>) dst(%dma_wait3A_184 : memref<64x256xf32, #tpu.memory_space<hbm>>)
      tpu.yield
    }) : () -> ()
    %dma_wait3A_94 = arith.constant 192 : i32
    %dma_wait3A_95 = tpu.memref_slice %arg7[%dma_wait3A_94] : memref<512xi32, #tpu.memory_space<vmem>> -> memref<64xi32, #tpu.memory_space<vmem>>
    %dma_wait3A_96 = arith.constant 0 : i32
    %dma_wait3A_97 = arith.constant 0 : i32
    %dma_wait3A_98 = tpu.memref_slice %arg4[%dma_wait3A_96, %dma_wait3A_97] : memref<8192x512xf32, #tpu.memory_space<hbm>> -> memref<8192x512xf32, #tpu.memory_space<hbm>>
    tpu.wait_indirect_dma semaphore(%arg15 : memref<!tpu.dma_semaphore, #tpu.memory_space<semaphore_mem>>) src(%dma_wait3A_98 : memref<8192x512xf32, #tpu.memory_space<hbm>>) dst(%arg11 : memref<64x512xf32, #tpu.memory_space<vmem>>)
    "tpu.region"() ({
      %run_scoped3A = tpu.sem_alloc : memref<!tpu.dma_semaphore, #tpu.memory_space<semaphore_mem>>
      %dma_start3A_177 = arith.constant 0 : i32
      %dma_start3A_178 = tpu.memref_slice %arg6[%add3A_88, %dma_start3A_177] : memref<16384x512xf32, #tpu.memory_space<hbm>> -> memref<64x512xf32, #tpu.memory_space<hbm>>
      %dma_start3A_179 = arith.constant 0 : i32
      %dma_start3A_180 = tpu.memref_slice %arg6[%add3A_88, %dma_start3A_179] : memref<16384x512xf32, #tpu.memory_space<hbm>> -> memref<64x512xf32, #tpu.memory_space<hbm>>
      tpu.enqueue_dma source(%arg11 : memref<64x512xf32, #tpu.memory_space<vmem>>) target(%dma_start3A_180 : memref<64x512xf32, #tpu.memory_space<hbm>>) target_semaphore(%run_scoped3A : memref<!tpu.dma_semaphore, #tpu.memory_space<semaphore_mem>>)
      %dma_wait3A_181 = arith.constant 0 : i32
      %dma_wait3A_182 = tpu.memref_slice %arg6[%add3A_88, %dma_wait3A_181] : memref<16384x512xf32, #tpu.memory_space<hbm>> -> memref<64x512xf32, #tpu.memory_space<hbm>>
      %dma_wait3A_183 = arith.constant 0 : i32
      %dma_wait3A_184 = tpu.memref_slice %arg6[%add3A_88, %dma_wait3A_183] : memref<16384x512xf32, #tpu.memory_space<hbm>> -> memref<64x512xf32, #tpu.memory_space<hbm>>
      tpu.wait_dma2 semaphore(%run_scoped3A : memref<!tpu.dma_semaphore, #tpu.memory_space<semaphore_mem>>) src(%arg11 : memref<64x512xf32, #tpu.memory_space<vmem>>) dst(%dma_wait3A_184 : memref<64x512xf32, #tpu.memory_space<hbm>>)
      tpu.yield
    }) : () -> ()
    %dma_start3A_99 = arith.constant 320 : i32
    %dma_start3A_100 = tpu.memref_slice %arg7[%dma_start3A_99] : memref<512xi32, #tpu.memory_space<vmem>> -> memref<64xi32, #tpu.memory_space<vmem>>
    %dma_start3A_101 = arith.constant 0 : i32
    %dma_start3A_102 = arith.constant 0 : i32
    %dma_start3A_103 = tpu.memref_slice %arg3[%dma_start3A_101, %dma_start3A_102] : memref<8192x256xf32, #tpu.memory_space<hbm>> -> memref<8192x256xf32, #tpu.memory_space<hbm>>
    tpu.enqueue_indirect_dma source(%dma_start3A_103 : memref<8192x256xf32, #tpu.memory_space<hbm>>) target(%arg9 : memref<64x256xf32, #tpu.memory_space<vmem>>) offsets(%dma_start3A_100 : memref<64xi32, #tpu.memory_space<vmem>>) semaphore(%arg13 : memref<!tpu.dma_semaphore, #tpu.memory_space<semaphore_mem>>)
    %dma_start3A_104 = arith.constant 320 : i32
    %dma_start3A_105 = tpu.memref_slice %arg7[%dma_start3A_104] : memref<512xi32, #tpu.memory_space<vmem>> -> memref<64xi32, #tpu.memory_space<vmem>>
    %dma_start3A_106 = arith.constant 0 : i32
    %dma_start3A_107 = arith.constant 0 : i32
    %dma_start3A_108 = tpu.memref_slice %arg4[%dma_start3A_106, %dma_start3A_107] : memref<8192x512xf32, #tpu.memory_space<hbm>> -> memref<8192x512xf32, #tpu.memory_space<hbm>>
    tpu.enqueue_indirect_dma source(%dma_start3A_108 : memref<8192x512xf32, #tpu.memory_space<hbm>>) target(%arg11 : memref<64x512xf32, #tpu.memory_space<vmem>>) offsets(%dma_start3A_105 : memref<64xi32, #tpu.memory_space<vmem>>) semaphore(%arg15 : memref<!tpu.dma_semaphore, #tpu.memory_space<semaphore_mem>>)
    %add3A_109 = arith.constant 256 : i32
    %add3A_110 = arith.addi %mul3A_2, %add3A_109 : i32
    %dma_wait3A_111 = arith.constant 256 : i32
    %dma_wait3A_112 = tpu.memref_slice %arg7[%dma_wait3A_111] : memref<512xi32, #tpu.memory_space<vmem>> -> memref<64xi32, #tpu.memory_space<vmem>>
    %dma_wait3A_113 = arith.constant 0 : i32
    %dma_wait3A_114 = arith.constant 0 : i32
    %dma_wait3A_115 = tpu.memref_slice %arg3[%dma_wait3A_113, %dma_wait3A_114] : memref<8192x256xf32, #tpu.memory_space<hbm>> -> memref<8192x256xf32, #tpu.memory_space<hbm>>
    tpu.wait_indirect_dma semaphore(%arg12 : memref<!tpu.dma_semaphore, #tpu.memory_space<semaphore_mem>>) src(%dma_wait3A_115 : memref<8192x256xf32, #tpu.memory_space<hbm>>) dst(%arg8 : memref<64x256xf32, #tpu.memory_space<vmem>>)
    "tpu.region"() ({
      %run_scoped3A = tpu.sem_alloc : memref<!tpu.dma_semaphore, #tpu.memory_space<semaphore_mem>>
      %dma_start3A_177 = arith.constant 0 : i32
      %dma_start3A_178 = tpu.memref_slice %arg5[%add3A_110, %dma_start3A_177] : memref<16384x256xf32, #tpu.memory_space<hbm>> -> memref<64x256xf32, #tpu.memory_space<hbm>>
      %dma_start3A_179 = arith.constant 0 : i32
      %dma_start3A_180 = tpu.memref_slice %arg5[%add3A_110, %dma_start3A_179] : memref<16384x256xf32, #tpu.memory_space<hbm>> -> memref<64x256xf32, #tpu.memory_space<hbm>>
      tpu.enqueue_dma source(%arg8 : memref<64x256xf32, #tpu.memory_space<vmem>>) target(%dma_start3A_180 : memref<64x256xf32, #tpu.memory_space<hbm>>) target_semaphore(%run_scoped3A : memref<!tpu.dma_semaphore, #tpu.memory_space<semaphore_mem>>)
      %dma_wait3A_181 = arith.constant 0 : i32
      %dma_wait3A_182 = tpu.memref_slice %arg5[%add3A_110, %dma_wait3A_181] : memref<16384x256xf32, #tpu.memory_space<hbm>> -> memref<64x256xf32, #tpu.memory_space<hbm>>
      %dma_wait3A_183 = arith.constant 0 : i32
      %dma_wait3A_184 = tpu.memref_slice %arg5[%add3A_110, %dma_wait3A_183] : memref<16384x256xf32, #tpu.memory_space<hbm>> -> memref<64x256xf32, #tpu.memory_space<hbm>>
      tpu.wait_dma2 semaphore(%run_scoped3A : memref<!tpu.dma_semaphore, #tpu.memory_space<semaphore_mem>>) src(%arg8 : memref<64x256xf32, #tpu.memory_space<vmem>>) dst(%dma_wait3A_184 : memref<64x256xf32, #tpu.memory_space<hbm>>)
      tpu.yield
    }) : () -> ()
    %dma_wait3A_116 = arith.constant 256 : i32
    %dma_wait3A_117 = tpu.memref_slice %arg7[%dma_wait3A_116] : memref<512xi32, #tpu.memory_space<vmem>> -> memref<64xi32, #tpu.memory_space<vmem>>
    %dma_wait3A_118 = arith.constant 0 : i32
    %dma_wait3A_119 = arith.constant 0 : i32
    %dma_wait3A_120 = tpu.memref_slice %arg4[%dma_wait3A_118, %dma_wait3A_119] : memref<8192x512xf32, #tpu.memory_space<hbm>> -> memref<8192x512xf32, #tpu.memory_space<hbm>>
    tpu.wait_indirect_dma semaphore(%arg14 : memref<!tpu.dma_semaphore, #tpu.memory_space<semaphore_mem>>) src(%dma_wait3A_120 : memref<8192x512xf32, #tpu.memory_space<hbm>>) dst(%arg10 : memref<64x512xf32, #tpu.memory_space<vmem>>)
    "tpu.region"() ({
      %run_scoped3A = tpu.sem_alloc : memref<!tpu.dma_semaphore, #tpu.memory_space<semaphore_mem>>
      %dma_start3A_177 = arith.constant 0 : i32
      %dma_start3A_178 = tpu.memref_slice %arg6[%add3A_110, %dma_start3A_177] : memref<16384x512xf32, #tpu.memory_space<hbm>> -> memref<64x512xf32, #tpu.memory_space<hbm>>
      %dma_start3A_179 = arith.constant 0 : i32
      %dma_start3A_180 = tpu.memref_slice %arg6[%add3A_110, %dma_start3A_179] : memref<16384x512xf32, #tpu.memory_space<hbm>> -> memref<64x512xf32, #tpu.memory_space<hbm>>
      tpu.enqueue_dma source(%arg10 : memref<64x512xf32, #tpu.memory_space<vmem>>) target(%dma_start3A_180 : memref<64x512xf32, #tpu.memory_space<hbm>>) target_semaphore(%run_scoped3A : memref<!tpu.dma_semaphore, #tpu.memory_space<semaphore_mem>>)
      %dma_wait3A_181 = arith.constant 0 : i32
      %dma_wait3A_182 = tpu.memref_slice %arg6[%add3A_110, %dma_wait3A_181] : memref<16384x512xf32, #tpu.memory_space<hbm>> -> memref<64x512xf32, #tpu.memory_space<hbm>>
      %dma_wait3A_183 = arith.constant 0 : i32
      %dma_wait3A_184 = tpu.memref_slice %arg6[%add3A_110, %dma_wait3A_183] : memref<16384x512xf32, #tpu.memory_space<hbm>> -> memref<64x512xf32, #tpu.memory_space<hbm>>
      tpu.wait_dma2 semaphore(%run_scoped3A : memref<!tpu.dma_semaphore, #tpu.memory_space<semaphore_mem>>) src(%arg10 : memref<64x512xf32, #tpu.memory_space<vmem>>) dst(%dma_wait3A_184 : memref<64x512xf32, #tpu.memory_space<hbm>>)
      tpu.yield
    }) : () -> ()
    %dma_start3A_121 = arith.constant 384 : i32
    %dma_start3A_122 = tpu.memref_slice %arg7[%dma_start3A_121] : memref<512xi32, #tpu.memory_space<vmem>> -> memref<64xi32, #tpu.memory_space<vmem>>
    %dma_start3A_123 = arith.constant 0 : i32
    %dma_start3A_124 = arith.constant 0 : i32
    %dma_start3A_125 = tpu.memref_slice %arg3[%dma_start3A_123, %dma_start3A_124] : memref<8192x256xf32, #tpu.memory_space<hbm>> -> memref<8192x256xf32, #tpu.memory_space<hbm>>
    tpu.enqueue_indirect_dma source(%dma_start3A_125 : memref<8192x256xf32, #tpu.memory_space<hbm>>) target(%arg8 : memref<64x256xf32, #tpu.memory_space<vmem>>) offsets(%dma_start3A_122 : memref<64xi32, #tpu.memory_space<vmem>>) semaphore(%arg12 : memref<!tpu.dma_semaphore, #tpu.memory_space<semaphore_mem>>)
    %dma_start3A_126 = arith.constant 384 : i32
    %dma_start3A_127 = tpu.memref_slice %arg7[%dma_start3A_126] : memref<512xi32, #tpu.memory_space<vmem>> -> memref<64xi32, #tpu.memory_space<vmem>>
    %dma_start3A_128 = arith.constant 0 : i32
    %dma_start3A_129 = arith.constant 0 : i32
    %dma_start3A_130 = tpu.memref_slice %arg4[%dma_start3A_128, %dma_start3A_129] : memref<8192x512xf32, #tpu.memory_space<hbm>> -> memref<8192x512xf32, #tpu.memory_space<hbm>>
    tpu.enqueue_indirect_dma source(%dma_start3A_130 : memref<8192x512xf32, #tpu.memory_space<hbm>>) target(%arg10 : memref<64x512xf32, #tpu.memory_space<vmem>>) offsets(%dma_start3A_127 : memref<64xi32, #tpu.memory_space<vmem>>) semaphore(%arg14 : memref<!tpu.dma_semaphore, #tpu.memory_space<semaphore_mem>>)
    %add3A_131 = arith.constant 320 : i32
    %add3A_132 = arith.addi %mul3A_2, %add3A_131 : i32
    %dma_wait3A_133 = arith.constant 320 : i32
    %dma_wait3A_134 = tpu.memref_slice %arg7[%dma_wait3A_133] : memref<512xi32, #tpu.memory_space<vmem>> -> memref<64xi32, #tpu.memory_space<vmem>>
    %dma_wait3A_135 = arith.constant 0 : i32
    %dma_wait3A_136 = arith.constant 0 : i32
    %dma_wait3A_137 = tpu.memref_slice %arg3[%dma_wait3A_135, %dma_wait3A_136] : memref<8192x256xf32, #tpu.memory_space<hbm>> -> memref<8192x256xf32, #tpu.memory_space<hbm>>
    tpu.wait_indirect_dma semaphore(%arg13 : memref<!tpu.dma_semaphore, #tpu.memory_space<semaphore_mem>>) src(%dma_wait3A_137 : memref<8192x256xf32, #tpu.memory_space<hbm>>) dst(%arg9 : memref<64x256xf32, #tpu.memory_space<vmem>>)
    "tpu.region"() ({
      %run_scoped3A = tpu.sem_alloc : memref<!tpu.dma_semaphore, #tpu.memory_space<semaphore_mem>>
      %dma_start3A_177 = arith.constant 0 : i32
      %dma_start3A_178 = tpu.memref_slice %arg5[%add3A_132, %dma_start3A_177] : memref<16384x256xf32, #tpu.memory_space<hbm>> -> memref<64x256xf32, #tpu.memory_space<hbm>>
      %dma_start3A_179 = arith.constant 0 : i32
      %dma_start3A_180 = tpu.memref_slice %arg5[%add3A_132, %dma_start3A_179] : memref<16384x256xf32, #tpu.memory_space<hbm>> -> memref<64x256xf32, #tpu.memory_space<hbm>>
      tpu.enqueue_dma source(%arg9 : memref<64x256xf32, #tpu.memory_space<vmem>>) target(%dma_start3A_180 : memref<64x256xf32, #tpu.memory_space<hbm>>) target_semaphore(%run_scoped3A : memref<!tpu.dma_semaphore, #tpu.memory_space<semaphore_mem>>)
      %dma_wait3A_181 = arith.constant 0 : i32
      %dma_wait3A_182 = tpu.memref_slice %arg5[%add3A_132, %dma_wait3A_181] : memref<16384x256xf32, #tpu.memory_space<hbm>> -> memref<64x256xf32, #tpu.memory_space<hbm>>
      %dma_wait3A_183 = arith.constant 0 : i32
      %dma_wait3A_184 = tpu.memref_slice %arg5[%add3A_132, %dma_wait3A_183] : memref<16384x256xf32, #tpu.memory_space<hbm>> -> memref<64x256xf32, #tpu.memory_space<hbm>>
      tpu.wait_dma2 semaphore(%run_scoped3A : memref<!tpu.dma_semaphore, #tpu.memory_space<semaphore_mem>>) src(%arg9 : memref<64x256xf32, #tpu.memory_space<vmem>>) dst(%dma_wait3A_184 : memref<64x256xf32, #tpu.memory_space<hbm>>)
      tpu.yield
    }) : () -> ()
    %dma_wait3A_138 = arith.constant 320 : i32
    %dma_wait3A_139 = tpu.memref_slice %arg7[%dma_wait3A_138] : memref<512xi32, #tpu.memory_space<vmem>> -> memref<64xi32, #tpu.memory_space<vmem>>
    %dma_wait3A_140 = arith.constant 0 : i32
    %dma_wait3A_141 = arith.constant 0 : i32
    %dma_wait3A_142 = tpu.memref_slice %arg4[%dma_wait3A_140, %dma_wait3A_141] : memref<8192x512xf32, #tpu.memory_space<hbm>> -> memref<8192x512xf32, #tpu.memory_space<hbm>>
    tpu.wait_indirect_dma semaphore(%arg15 : memref<!tpu.dma_semaphore, #tpu.memory_space<semaphore_mem>>) src(%dma_wait3A_142 : memref<8192x512xf32, #tpu.memory_space<hbm>>) dst(%arg11 : memref<64x512xf32, #tpu.memory_space<vmem>>)
    "tpu.region"() ({
      %run_scoped3A = tpu.sem_alloc : memref<!tpu.dma_semaphore, #tpu.memory_space<semaphore_mem>>
      %dma_start3A_177 = arith.constant 0 : i32
      %dma_start3A_178 = tpu.memref_slice %arg6[%add3A_132, %dma_start3A_177] : memref<16384x512xf32, #tpu.memory_space<hbm>> -> memref<64x512xf32, #tpu.memory_space<hbm>>
      %dma_start3A_179 = arith.constant 0 : i32
      %dma_start3A_180 = tpu.memref_slice %arg6[%add3A_132, %dma_start3A_179] : memref<16384x512xf32, #tpu.memory_space<hbm>> -> memref<64x512xf32, #tpu.memory_space<hbm>>
      tpu.enqueue_dma source(%arg11 : memref<64x512xf32, #tpu.memory_space<vmem>>) target(%dma_start3A_180 : memref<64x512xf32, #tpu.memory_space<hbm>>) target_semaphore(%run_scoped3A : memref<!tpu.dma_semaphore, #tpu.memory_space<semaphore_mem>>)
      %dma_wait3A_181 = arith.constant 0 : i32
      %dma_wait3A_182 = tpu.memref_slice %arg6[%add3A_132, %dma_wait3A_181] : memref<16384x512xf32, #tpu.memory_space<hbm>> -> memref<64x512xf32, #tpu.memory_space<hbm>>
      %dma_wait3A_183 = arith.constant 0 : i32
      %dma_wait3A_184 = tpu.memref_slice %arg6[%add3A_132, %dma_wait3A_183] : memref<16384x512xf32, #tpu.memory_space<hbm>> -> memref<64x512xf32, #tpu.memory_space<hbm>>
      tpu.wait_dma2 semaphore(%run_scoped3A : memref<!tpu.dma_semaphore, #tpu.memory_space<semaphore_mem>>) src(%arg11 : memref<64x512xf32, #tpu.memory_space<vmem>>) dst(%dma_wait3A_184 : memref<64x512xf32, #tpu.memory_space<hbm>>)
      tpu.yield
    }) : () -> ()
    %dma_start3A_143 = arith.constant 448 : i32
    %dma_start3A_144 = tpu.memref_slice %arg7[%dma_start3A_143] : memref<512xi32, #tpu.memory_space<vmem>> -> memref<64xi32, #tpu.memory_space<vmem>>
    %dma_start3A_145 = arith.constant 0 : i32
    %dma_start3A_146 = arith.constant 0 : i32
    %dma_start3A_147 = tpu.memref_slice %arg3[%dma_start3A_145, %dma_start3A_146] : memref<8192x256xf32, #tpu.memory_space<hbm>> -> memref<8192x256xf32, #tpu.memory_space<hbm>>
    tpu.enqueue_indirect_dma source(%dma_start3A_147 : memref<8192x256xf32, #tpu.memory_space<hbm>>) target(%arg9 : memref<64x256xf32, #tpu.memory_space<vmem>>) offsets(%dma_start3A_144 : memref<64xi32, #tpu.memory_space<vmem>>) semaphore(%arg13 : memref<!tpu.dma_semaphore, #tpu.memory_space<semaphore_mem>>)
    %dma_start3A_148 = arith.constant 448 : i32
    %dma_start3A_149 = tpu.memref_slice %arg7[%dma_start3A_148] : memref<512xi32, #tpu.memory_space<vmem>> -> memref<64xi32, #tpu.memory_space<vmem>>
    %dma_start3A_150 = arith.constant 0 : i32
    %dma_start3A_151 = arith.constant 0 : i32
    %dma_start3A_152 = tpu.memref_slice %arg4[%dma_start3A_150, %dma_start3A_151] : memref<8192x512xf32, #tpu.memory_space<hbm>> -> memref<8192x512xf32, #tpu.memory_space<hbm>>
    tpu.enqueue_indirect_dma source(%dma_start3A_152 : memref<8192x512xf32, #tpu.memory_space<hbm>>) target(%arg11 : memref<64x512xf32, #tpu.memory_space<vmem>>) offsets(%dma_start3A_149 : memref<64xi32, #tpu.memory_space<vmem>>) semaphore(%arg15 : memref<!tpu.dma_semaphore, #tpu.memory_space<semaphore_mem>>)
    %add3A_153 = arith.constant 384 : i32
    %add3A_154 = arith.addi %mul3A_2, %add3A_153 : i32
    %dma_wait3A_155 = arith.constant 384 : i32
    %dma_wait3A_156 = tpu.memref_slice %arg7[%dma_wait3A_155] : memref<512xi32, #tpu.memory_space<vmem>> -> memref<64xi32, #tpu.memory_space<vmem>>
    %dma_wait3A_157 = arith.constant 0 : i32
    %dma_wait3A_158 = arith.constant 0 : i32
    %dma_wait3A_159 = tpu.memref_slice %arg3[%dma_wait3A_157, %dma_wait3A_158] : memref<8192x256xf32, #tpu.memory_space<hbm>> -> memref<8192x256xf32, #tpu.memory_space<hbm>>
    tpu.wait_indirect_dma semaphore(%arg12 : memref<!tpu.dma_semaphore, #tpu.memory_space<semaphore_mem>>) src(%dma_wait3A_159 : memref<8192x256xf32, #tpu.memory_space<hbm>>) dst(%arg8 : memref<64x256xf32, #tpu.memory_space<vmem>>)
    "tpu.region"() ({
      %run_scoped3A = tpu.sem_alloc : memref<!tpu.dma_semaphore, #tpu.memory_space<semaphore_mem>>
      %dma_start3A_177 = arith.constant 0 : i32
      %dma_start3A_178 = tpu.memref_slice %arg5[%add3A_154, %dma_start3A_177] : memref<16384x256xf32, #tpu.memory_space<hbm>> -> memref<64x256xf32, #tpu.memory_space<hbm>>
      %dma_start3A_179 = arith.constant 0 : i32
      %dma_start3A_180 = tpu.memref_slice %arg5[%add3A_154, %dma_start3A_179] : memref<16384x256xf32, #tpu.memory_space<hbm>> -> memref<64x256xf32, #tpu.memory_space<hbm>>
      tpu.enqueue_dma source(%arg8 : memref<64x256xf32, #tpu.memory_space<vmem>>) target(%dma_start3A_180 : memref<64x256xf32, #tpu.memory_space<hbm>>) target_semaphore(%run_scoped3A : memref<!tpu.dma_semaphore, #tpu.memory_space<semaphore_mem>>)
      %dma_wait3A_181 = arith.constant 0 : i32
      %dma_wait3A_182 = tpu.memref_slice %arg5[%add3A_154, %dma_wait3A_181] : memref<16384x256xf32, #tpu.memory_space<hbm>> -> memref<64x256xf32, #tpu.memory_space<hbm>>
      %dma_wait3A_183 = arith.constant 0 : i32
      %dma_wait3A_184 = tpu.memref_slice %arg5[%add3A_154, %dma_wait3A_183] : memref<16384x256xf32, #tpu.memory_space<hbm>> -> memref<64x256xf32, #tpu.memory_space<hbm>>
      tpu.wait_dma2 semaphore(%run_scoped3A : memref<!tpu.dma_semaphore, #tpu.memory_space<semaphore_mem>>) src(%arg8 : memref<64x256xf32, #tpu.memory_space<vmem>>) dst(%dma_wait3A_184 : memref<64x256xf32, #tpu.memory_space<hbm>>)
      tpu.yield
    }) : () -> ()
    %dma_wait3A_160 = arith.constant 384 : i32
    %dma_wait3A_161 = tpu.memref_slice %arg7[%dma_wait3A_160] : memref<512xi32, #tpu.memory_space<vmem>> -> memref<64xi32, #tpu.memory_space<vmem>>
    %dma_wait3A_162 = arith.constant 0 : i32
    %dma_wait3A_163 = arith.constant 0 : i32
    %dma_wait3A_164 = tpu.memref_slice %arg4[%dma_wait3A_162, %dma_wait3A_163] : memref<8192x512xf32, #tpu.memory_space<hbm>> -> memref<8192x512xf32, #tpu.memory_space<hbm>>
    tpu.wait_indirect_dma semaphore(%arg14 : memref<!tpu.dma_semaphore, #tpu.memory_space<semaphore_mem>>) src(%dma_wait3A_164 : memref<8192x512xf32, #tpu.memory_space<hbm>>) dst(%arg10 : memref<64x512xf32, #tpu.memory_space<vmem>>)
    "tpu.region"() ({
      %run_scoped3A = tpu.sem_alloc : memref<!tpu.dma_semaphore, #tpu.memory_space<semaphore_mem>>
      %dma_start3A_177 = arith.constant 0 : i32
      %dma_start3A_178 = tpu.memref_slice %arg6[%add3A_154, %dma_start3A_177] : memref<16384x512xf32, #tpu.memory_space<hbm>> -> memref<64x512xf32, #tpu.memory_space<hbm>>
      %dma_start3A_179 = arith.constant 0 : i32
      %dma_start3A_180 = tpu.memref_slice %arg6[%add3A_154, %dma_start3A_179] : memref<16384x512xf32, #tpu.memory_space<hbm>> -> memref<64x512xf32, #tpu.memory_space<hbm>>
      tpu.enqueue_dma source(%arg10 : memref<64x512xf32, #tpu.memory_space<vmem>>) target(%dma_start3A_180 : memref<64x512xf32, #tpu.memory_space<hbm>>) target_semaphore(%run_scoped3A : memref<!tpu.dma_semaphore, #tpu.memory_space<semaphore_mem>>)
      %dma_wait3A_181 = arith.constant 0 : i32
      %dma_wait3A_182 = tpu.memref_slice %arg6[%add3A_154, %dma_wait3A_181] : memref<16384x512xf32, #tpu.memory_space<hbm>> -> memref<64x512xf32, #tpu.memory_space<hbm>>
      %dma_wait3A_183 = arith.constant 0 : i32
      %dma_wait3A_184 = tpu.memref_slice %arg6[%add3A_154, %dma_wait3A_183] : memref<16384x512xf32, #tpu.memory_space<hbm>> -> memref<64x512xf32, #tpu.memory_space<hbm>>
      tpu.wait_dma2 semaphore(%run_scoped3A : memref<!tpu.dma_semaphore, #tpu.memory_space<semaphore_mem>>) src(%arg10 : memref<64x512xf32, #tpu.memory_space<vmem>>) dst(%dma_wait3A_184 : memref<64x512xf32, #tpu.memory_space<hbm>>)
      tpu.yield
    }) : () -> ()
    %add3A_165 = arith.constant 448 : i32
    %add3A_166 = arith.addi %mul3A_2, %add3A_165 : i32
    %dma_wait3A_167 = arith.constant 448 : i32
    %dma_wait3A_168 = tpu.memref_slice %arg7[%dma_wait3A_167] : memref<512xi32, #tpu.memory_space<vmem>> -> memref<64xi32, #tpu.memory_space<vmem>>
    %dma_wait3A_169 = arith.constant 0 : i32
    %dma_wait3A_170 = arith.constant 0 : i32
    %dma_wait3A_171 = tpu.memref_slice %arg3[%dma_wait3A_169, %dma_wait3A_170] : memref<8192x256xf32, #tpu.memory_space<hbm>> -> memref<8192x256xf32, #tpu.memory_space<hbm>>
    tpu.wait_indirect_dma semaphore(%arg13 : memref<!tpu.dma_semaphore, #tpu.memory_space<semaphore_mem>>) src(%dma_wait3A_171 : memref<8192x256xf32, #tpu.memory_space<hbm>>) dst(%arg9 : memref<64x256xf32, #tpu.memory_space<vmem>>)
    "tpu.region"() ({
      %run_scoped3A = tpu.sem_alloc : memref<!tpu.dma_semaphore, #tpu.memory_space<semaphore_mem>>
      %dma_start3A_177 = arith.constant 0 : i32
      %dma_start3A_178 = tpu.memref_slice %arg5[%add3A_166, %dma_start3A_177] : memref<16384x256xf32, #tpu.memory_space<hbm>> -> memref<64x256xf32, #tpu.memory_space<hbm>>
      %dma_start3A_179 = arith.constant 0 : i32
      %dma_start3A_180 = tpu.memref_slice %arg5[%add3A_166, %dma_start3A_179] : memref<16384x256xf32, #tpu.memory_space<hbm>> -> memref<64x256xf32, #tpu.memory_space<hbm>>
      tpu.enqueue_dma source(%arg9 : memref<64x256xf32, #tpu.memory_space<vmem>>) target(%dma_start3A_180 : memref<64x256xf32, #tpu.memory_space<hbm>>) target_semaphore(%run_scoped3A : memref<!tpu.dma_semaphore, #tpu.memory_space<semaphore_mem>>)
      %dma_wait3A_181 = arith.constant 0 : i32
      %dma_wait3A_182 = tpu.memref_slice %arg5[%add3A_166, %dma_wait3A_181] : memref<16384x256xf32, #tpu.memory_space<hbm>> -> memref<64x256xf32, #tpu.memory_space<hbm>>
      %dma_wait3A_183 = arith.constant 0 : i32
      %dma_wait3A_184 = tpu.memref_slice %arg5[%add3A_166, %dma_wait3A_183] : memref<16384x256xf32, #tpu.memory_space<hbm>> -> memref<64x256xf32, #tpu.memory_space<hbm>>
      tpu.wait_dma2 semaphore(%run_scoped3A : memref<!tpu.dma_semaphore, #tpu.memory_space<semaphore_mem>>) src(%arg9 : memref<64x256xf32, #tpu.memory_space<vmem>>) dst(%dma_wait3A_184 : memref<64x256xf32, #tpu.memory_space<hbm>>)
      tpu.yield
    }) : () -> ()
    %dma_wait3A_172 = arith.constant 448 : i32
    %dma_wait3A_173 = tpu.memref_slice %arg7[%dma_wait3A_172] : memref<512xi32, #tpu.memory_space<vmem>> -> memref<64xi32, #tpu.memory_space<vmem>>
    %dma_wait3A_174 = arith.constant 0 : i32
    %dma_wait3A_175 = arith.constant 0 : i32
    %dma_wait3A_176 = tpu.memref_slice %arg4[%dma_wait3A_174, %dma_wait3A_175] : memref<8192x512xf32, #tpu.memory_space<hbm>> -> memref<8192x512xf32, #tpu.memory_space<hbm>>
    tpu.wait_indirect_dma semaphore(%arg15 : memref<!tpu.dma_semaphore, #tpu.memory_space<semaphore_mem>>) src(%dma_wait3A_176 : memref<8192x512xf32, #tpu.memory_space<hbm>>) dst(%arg11 : memref<64x512xf32, #tpu.memory_space<vmem>>)
    "tpu.region"() ({
      %run_scoped3A = tpu.sem_alloc : memref<!tpu.dma_semaphore, #tpu.memory_space<semaphore_mem>>
      %dma_start3A_177 = arith.constant 0 : i32
      %dma_start3A_178 = tpu.memref_slice %arg6[%add3A_166, %dma_start3A_177] : memref<16384x512xf32, #tpu.memory_space<hbm>> -> memref<64x512xf32, #tpu.memory_space<hbm>>
      %dma_start3A_179 = arith.constant 0 : i32
      %dma_start3A_180 = tpu.memref_slice %arg6[%add3A_166, %dma_start3A_179] : memref<16384x512xf32, #tpu.memory_space<hbm>> -> memref<64x512xf32, #tpu.memory_space<hbm>>
      tpu.enqueue_dma source(%arg11 : memref<64x512xf32, #tpu.memory_space<vmem>>) target(%dma_start3A_180 : memref<64x512xf32, #tpu.memory_space<hbm>>) target_semaphore(%run_scoped3A : memref<!tpu.dma_semaphore, #tpu.memory_space<semaphore_mem>>)
      %dma_wait3A_181 = arith.constant 0 : i32
      %dma_wait3A_182 = tpu.memref_slice %arg6[%add3A_166, %dma_wait3A_181] : memref<16384x512xf32, #tpu.memory_space<hbm>> -> memref<64x512xf32, #tpu.memory_space<hbm>>
      %dma_wait3A_183 = arith.constant 0 : i32
      %dma_wait3A_184 = tpu.memref_slice %arg6[%add3A_166, %dma_wait3A_183] : memref<16384x512xf32, #tpu.memory_space<hbm>> -> memref<64x512xf32, #tpu.memory_space<hbm>>
      tpu.wait_dma2 semaphore(%run_scoped3A : memref<!tpu.dma_semaphore, #tpu.memory_space<semaphore_mem>>) src(%arg11 : memref<64x512xf32, #tpu.memory_space<vmem>>) dst(%dma_wait3A_184 : memref<64x512xf32, #tpu.memory_space<hbm>>)
      tpu.yield
    }) : () -> ()
    return
  }
}

module attributes {stable_mosaic.version = 14 : i64} {
  func.func @_zq_body(%arg0: i32, %arg1: memref<1024x512xf32, #tpu.memory_space<vmem>>, %arg2: memref<512x256xf32, #tpu.memory_space<vmem>>, %arg3: memref<1x256xf32, #tpu.memory_space<vmem>>, %arg4: memref<256x1024xf32, #tpu.memory_space<vmem>>) attributes {dimension_semantics = [#tpu.dimension_semantics<arbitrary>], iteration_bounds = array<i64: 16>, scalar_prefetch = 0 : i64, scratch_operands = 0 : i64, tpu.core_type = #tpu.core_type<tc>, window_params = [{transform_indices = @transform_0, window_bounds = array<i64: 1024, 512>}, {pipeline_mode = #tpu.pipeline_mode<synchronous>, transform_indices = @transform_1, window_bounds = array<i64: 512, 256>}, {pipeline_mode = #tpu.pipeline_mode<synchronous>, transform_indices = @transform_2, window_bounds = array<i64: 1, 256>}, {transform_indices = @transform_3, window_bounds = array<i64: 256, 1024>}]} {
    %get3A = arith.constant 0 : index
    %get3A_0 = arith.constant 0 : index
    %get3A_1 = vector.load %arg1[%get3A, %get3A_0] : memref<1024x512xf32, #tpu.memory_space<vmem>>, vector<1024x512xf32>
    %get3A_2 = arith.constant 0 : index
    %get3A_3 = arith.constant 0 : index
    %get3A_4 = vector.load %arg2[%get3A_2, %get3A_3] : memref<512x256xf32, #tpu.memory_space<vmem>>, vector<512x256xf32>
    %dot_general3A = arith.constant dense<0.000000e+00> : vector<1024x256xf32>
    %dot_general3A_5 = tpu.matmul %get3A_1, %get3A_4, %dot_general3A {dimension_numbers = #tpu.dot_dimension_numbers<[1], [0], [0], [1], [0, 0, 1, 1], [], []>, transpose_lhs_hint = false} : vector<1024x512xf32>, vector<512x256xf32>, vector<1024x256xf32> -> vector<1024x256xf32>
    %get3A_6 = arith.constant 0 : index
    %get3A_7 = arith.constant 0 : index
    %get3A_8 = vector.load %arg3[%get3A_6, %get3A_7] : memref<1x256xf32, #tpu.memory_space<vmem>>, vector<1x256xf32>
    %add3A = vector.broadcast %get3A_8 : vector<1x256xf32> to vector<1024x256xf32>
    %add3A_9 = arith.addf %dot_general3A_5, %add3A : vector<1024x256xf32>
    %transpose3A = tpu.transpose %add3A_9, [1, 0] : vector<1024x256xf32> -> vector<256x1024xf32>
    %swap3A = arith.constant 0 : index
    %swap3A_10 = arith.constant 0 : index
    %swap3A_11 = vector.load %arg4[%swap3A, %swap3A_10] : memref<256x1024xf32, #tpu.memory_space<vmem>>, vector<256x1024xf32>
    tpu.vector_store %arg4[%swap3A, %swap3A_10], %transpose3A {strides = array<i32>} : memref<256x1024xf32, #tpu.memory_space<vmem>>, vector<256x1024xf32>,
    return
  }
  func.func @transform_0(%arg0: i32) -> (i32, i32) {
    %c0_i32 = arith.constant 0 : i32
    %c0_i32_0 = arith.constant 0 : i32
    return %arg0, %c0_i32 : i32, i32
  }
  func.func @transform_1(%arg0: i32) -> (i32, i32) {
    %c0_i32 = arith.constant 0 : i32
    %c0_i32_0 = arith.constant 0 : i32
    %c0_i32_1 = arith.constant 0 : i32
    return %c0_i32, %c0_i32_0 : i32, i32
  }
  func.func @transform_2(%arg0: i32) -> (i32, i32) {
    %c0_i32 = arith.constant 0 : i32
    %c0_i32_0 = arith.constant 0 : i32
    %c0_i32_1 = arith.constant 0 : i32
    return %c0_i32, %c0_i32_0 : i32, i32
  }
  func.func @transform_3(%arg0: i32) -> (i32, i32) {
    %c0_i32 = arith.constant 0 : i32
    %c0_i32_0 = arith.constant 0 : i32
    return %c0_i32, %arg0 : i32, i32
  }
}

module attributes {stable_mosaic.version = 14 : i64} {
  func.func @_argmin_body(%arg0: i32, %arg1: memref<256x1024xf32, #tpu.memory_space<vmem>>, %arg2: memref<8192x256xf32, #tpu.memory_space<vmem>>, %arg3: memref<1x1x1024xi32, #tpu.memory_space<vmem>>) attributes {dimension_semantics = [#tpu.dimension_semantics<arbitrary>], iteration_bounds = array<i64: 16>, scalar_prefetch = 0 : i64, scratch_operands = 0 : i64, tpu.core_type = #tpu.core_type<tc>, window_params = [{transform_indices = @transform_0, window_bounds = array<i64: 256, 1024>}, {pipeline_mode = #tpu.pipeline_mode<synchronous>, transform_indices = @transform_1, window_bounds = array<i64: 8192, 256>}, {transform_indices = @transform_2, window_bounds = array<i64: 1, 1, 1024>}]} {
    %get3A = arith.constant 0 : index
    %get3A_0 = arith.constant 0 : index
    %get3A_1 = vector.load %arg1[%get3A, %get3A_0] : memref<256x1024xf32, #tpu.memory_space<vmem>>, vector<256x1024xf32>
    %mul3A = arith.mulf %get3A_1, %get3A_1 : vector<256x1024xf32>
    %reduce_sum3A = arith.constant dense<0.000000e+00> : vector<1024xf32>
    %reduce_sum3A_2 = vector.multi_reduction <add>, %mul3A, %reduce_sum3A [0] : vector<256x1024xf32> to vector<1024xf32>
    %broadcast_in_dim3A = vector.shape_cast %reduce_sum3A_2 : vector<1024xf32> to vector<1x1024xf32>
    %add3A = arith.addf %get3A_1, %get3A_1 : vector<256x1024xf32>
    %broadcast_in_dim3A_3 = arith.constant 0x7F800000 : f32
    %broadcast_in_dim3A_4 = vector.broadcast %broadcast_in_dim3A_3 : f32 to vector<1x1024xf32>
    %broadcast_in_dim3A_5 = arith.constant 0 : i32
    %broadcast_in_dim3A_6 = vector.broadcast %broadcast_in_dim3A_5 : i32 to vector<1x1024xi32>
    %iota3A = tpu.iota {dimensions = array<i32: 0>} : vector<2736x1024xi32>
    %get3A_7 = arith.constant 0 : index
    %get3A_8 = arith.constant 0 : index
    %get3A_9 = vector.load %arg2[%get3A_7, %get3A_8] : memref<8192x256xf32, #tpu.memory_space<vmem>>, vector<2736x256xf32>
    %mul3A_10 = arith.mulf %get3A_9, %get3A_9 : vector<2736x256xf32>
    %reduce_sum3A_11 = arith.constant dense<0.000000e+00> : vector<2736xf32>
    %reduce_sum3A_12 = vector.multi_reduction <add>, %mul3A_10, %reduce_sum3A_11 [1] : vector<2736x256xf32> to vector<2736xf32>
    %broadcast_in_dim3A_13 = vector.shape_cast %reduce_sum3A_12 : vector<2736xf32> to vector<2736x1xf32>
    %dot_general3A = arith.constant dense<0.000000e+00> : vector<2736x1024xf32>
    %dot_general3A_14 = tpu.matmul %get3A_9, %add3A, %dot_general3A {dimension_numbers = #tpu.dot_dimension_numbers<[1], [0], [0], [1], [0, 0, 1, 1], [], []>, transpose_lhs_hint = false} : vector<2736x256xf32>, vector<256x1024xf32>, vector<2736x1024xf32> -> vector<2736x1024xf32>
    %add3A_15 = vector.broadcast %broadcast_in_dim3A : vector<1x1024xf32> to vector<2736x1024xf32>
    %add3A_16 = vector.broadcast %broadcast_in_dim3A_13 : vector<2736x1xf32> to vector<2736x1024xf32>
    %add3A_17 = arith.addf %add3A_15, %add3A_16 : vector<2736x1024xf32>
    %sub3A = arith.subf %add3A_17, %dot_general3A_14 : vector<2736x1024xf32>
    %slice3A = vector.extract_strided_slice %iota3A {offsets = [0, 0], sizes = [2736, 1024], strides = [1, 1]} : vector<2736x1024xi32> to vector<2736x1024xi32>
    %reduce_min3A = arith.constant dense<0x7F800000> : vector<1024xf32>
    %reduce_min3A_18 = vector.multi_reduction <minimumf>, %sub3A, %reduce_min3A [0] : vector<2736x1024xf32> to vector<1024xf32>
    %broadcast_in_dim3A_19 = vector.shape_cast %reduce_min3A_18 : vector<1024xf32> to vector<1x1024xf32>
    %eq3A = vector.broadcast %broadcast_in_dim3A_19 : vector<1x1024xf32> to vector<2736x1024xf32>
    %eq3A_20 = arith.cmpf oeq, %sub3A, %eq3A : vector<2736x1024xf32>
    %jit3A = arith.constant 8192 : i32
    %broadcast_in_dim3A_21 = vector.broadcast %jit3A : i32 to vector<2736x1024xi32>
    %select_n3A = arith.select %eq3A_20, %slice3A, %broadcast_in_dim3A_21 : vector<2736x1024xi1>, vector<2736x1024xi32>
    %reduce_min3A_22 = arith.constant dense<2147483647> : vector<1024xi32>
    %reduce_min3A_23 = vector.multi_reduction <minsi>, %select_n3A, %reduce_min3A_22 [0] : vector<2736x1024xi32> to vector<1024xi32>
    %broadcast_in_dim3A_24 = vector.shape_cast %reduce_min3A_23 : vector<1024xi32> to vector<1x1024xi32>
    %add3A_25 = arith.constant 0 : i32
    %add3A_26 = vector.broadcast %add3A_25 : i32 to vector<1x1024xi32>
    %add3A_27 = arith.addi %broadcast_in_dim3A_24, %add3A_26 : vector<1x1024xi32>
    %lt3A = arith.cmpf olt, %broadcast_in_dim3A_19, %broadcast_in_dim3A_4 : vector<1x1024xf32>
    %select_n3A_28 = arith.select %lt3A, %add3A_27, %broadcast_in_dim3A_6 : vector<1x1024xi1>, vector<1x1024xi32>
    %convert_element_type3A = arith.truncf %broadcast_in_dim3A_19 : vector<1x1024xf32> to vector<1x1024xbf16>
    %convert_element_type3A_29 = arith.extf %convert_element_type3A : vector<1x1024xbf16> to vector<1x1024xf32>
    %select_n3A_30 = arith.select %lt3A, %convert_element_type3A_29, %broadcast_in_dim3A_4 : vector<1x1024xi1>, vector<1x1024xf32>
    %get3A_31 = arith.constant 2736 : index
    %get3A_32 = arith.constant 0 : index
    %get3A_33 = vector.load %arg2[%get3A_31, %get3A_32] : memref<8192x256xf32, #tpu.memory_space<vmem>>, vector<2736x256xf32>
    %mul3A_34 = arith.mulf %get3A_33, %get3A_33 : vector<2736x256xf32>
    %reduce_sum3A_35 = arith.constant dense<0.000000e+00> : vector<2736xf32>
    %reduce_sum3A_36 = vector.multi_reduction <add>, %mul3A_34, %reduce_sum3A_35 [1] : vector<2736x256xf32> to vector<2736xf32>
    %broadcast_in_dim3A_37 = vector.shape_cast %reduce_sum3A_36 : vector<2736xf32> to vector<2736x1xf32>
    %dot_general3A_38 = arith.constant dense<0.000000e+00> : vector<2736x1024xf32>
    %dot_general3A_39 = tpu.matmul %get3A_33, %add3A, %dot_general3A_38 {dimension_numbers = #tpu.dot_dimension_numbers<[1], [0], [0], [1], [0, 0, 1, 1], [], []>, transpose_lhs_hint = false} : vector<2736x256xf32>, vector<256x1024xf32>, vector<2736x1024xf32> -> vector<2736x1024xf32>
    %add3A_40 = vector.broadcast %broadcast_in_dim3A : vector<1x1024xf32> to vector<2736x1024xf32>
    %add3A_41 = vector.broadcast %broadcast_in_dim3A_37 : vector<2736x1xf32> to vector<2736x1024xf32>
    %add3A_42 = arith.addf %add3A_40, %add3A_41 : vector<2736x1024xf32>
    %sub3A_43 = arith.subf %add3A_42, %dot_general3A_39 : vector<2736x1024xf32>
    %slice3A_44 = vector.extract_strided_slice %iota3A {offsets = [0, 0], sizes = [2736, 1024], strides = [1, 1]} : vector<2736x1024xi32> to vector<2736x1024xi32>
    %reduce_min3A_45 = arith.constant dense<0x7F800000> : vector<1024xf32>
    %reduce_min3A_46 = vector.multi_reduction <minimumf>, %sub3A_43, %reduce_min3A_45 [0] : vector<2736x1024xf32> to vector<1024xf32>
    %broadcast_in_dim3A_47 = vector.shape_cast %reduce_min3A_46 : vector<1024xf32> to vector<1x1024xf32>
    %eq3A_48 = vector.broadcast %broadcast_in_dim3A_47 : vector<1x1024xf32> to vector<2736x1024xf32>
    %eq3A_49 = arith.cmpf oeq, %sub3A_43, %eq3A_48 : vector<2736x1024xf32>
    %jit3A_50 = arith.constant 8192 : i32
    %broadcast_in_dim3A_51 = vector.broadcast %jit3A_50 : i32 to vector<2736x1024xi32>
    %select_n3A_52 = arith.select %eq3A_49, %slice3A_44, %broadcast_in_dim3A_51 : vector<2736x1024xi1>, vector<2736x1024xi32>
    %reduce_min3A_53 = arith.constant dense<2147483647> : vector<1024xi32>
    %reduce_min3A_54 = vector.multi_reduction <minsi>, %select_n3A_52, %reduce_min3A_53 [0] : vector<2736x1024xi32> to vector<1024xi32>
    %broadcast_in_dim3A_55 = vector.shape_cast %reduce_min3A_54 : vector<1024xi32> to vector<1x1024xi32>
    %add3A_56 = arith.constant 2736 : i32
    %add3A_57 = vector.broadcast %add3A_56 : i32 to vector<1x1024xi32>
    %add3A_58 = arith.addi %broadcast_in_dim3A_55, %add3A_57 : vector<1x1024xi32>
    %lt3A_59 = arith.cmpf olt, %broadcast_in_dim3A_47, %select_n3A_30 : vector<1x1024xf32>
    %select_n3A_60 = arith.select %lt3A_59, %add3A_58, %select_n3A_28 : vector<1x1024xi1>, vector<1x1024xi32>
    %convert_element_type3A_61 = arith.truncf %broadcast_in_dim3A_47 : vector<1x1024xf32> to vector<1x1024xbf16>
    %convert_element_type3A_62 = arith.extf %convert_element_type3A_61 : vector<1x1024xbf16> to vector<1x1024xf32>
    %select_n3A_63 = arith.select %lt3A_59, %convert_element_type3A_62, %select_n3A_30 : vector<1x1024xi1>, vector<1x1024xf32>
    %get3A_64 = arith.constant 5472 : index
    %get3A_65 = arith.constant 0 : index
    %get3A_66 = vector.load %arg2[%get3A_64, %get3A_65] : memref<8192x256xf32, #tpu.memory_space<vmem>>, vector<2720x256xf32>
    %mul3A_67 = arith.mulf %get3A_66, %get3A_66 : vector<2720x256xf32>
    %reduce_sum3A_68 = arith.constant dense<0.000000e+00> : vector<2720xf32>
    %reduce_sum3A_69 = vector.multi_reduction <add>, %mul3A_67, %reduce_sum3A_68 [1] : vector<2720x256xf32> to vector<2720xf32>
    %broadcast_in_dim3A_70 = vector.shape_cast %reduce_sum3A_69 : vector<2720xf32> to vector<2720x1xf32>
    %dot_general3A_71 = arith.constant dense<0.000000e+00> : vector<2720x1024xf32>
    %dot_general3A_72 = tpu.matmul %get3A_66, %add3A, %dot_general3A_71 {dimension_numbers = #tpu.dot_dimension_numbers<[1], [0], [0], [1], [0, 0, 1, 1], [], []>, transpose_lhs_hint = false} : vector<2720x256xf32>, vector<256x1024xf32>, vector<2720x1024xf32> -> vector<2720x1024xf32>
    %add3A_73 = vector.broadcast %broadcast_in_dim3A : vector<1x1024xf32> to vector<2720x1024xf32>
    %add3A_74 = vector.broadcast %broadcast_in_dim3A_70 : vector<2720x1xf32> to vector<2720x1024xf32>
    %add3A_75 = arith.addf %add3A_73, %add3A_74 : vector<2720x1024xf32>
    %sub3A_76 = arith.subf %add3A_75, %dot_general3A_72 : vector<2720x1024xf32>
    %slice3A_77 = vector.extract_strided_slice %iota3A {offsets = [0, 0], sizes = [2720, 1024], strides = [1, 1]} : vector<2736x1024xi32> to vector<2720x1024xi32>
    %reduce_min3A_78 = arith.constant dense<0x7F800000> : vector<1024xf32>
    %reduce_min3A_79 = vector.multi_reduction <minimumf>, %sub3A_76, %reduce_min3A_78 [0] : vector<2720x1024xf32> to vector<1024xf32>
    %broadcast_in_dim3A_80 = vector.shape_cast %reduce_min3A_79 : vector<1024xf32> to vector<1x1024xf32>
    %eq3A_81 = vector.broadcast %broadcast_in_dim3A_80 : vector<1x1024xf32> to vector<2720x1024xf32>
    %eq3A_82 = arith.cmpf oeq, %sub3A_76, %eq3A_81 : vector<2720x1024xf32>
    %jit3A_83 = arith.constant 8192 : i32
    %broadcast_in_dim3A_84 = vector.broadcast %jit3A_83 : i32 to vector<2720x1024xi32>
    %select_n3A_85 = arith.select %eq3A_82, %slice3A_77, %broadcast_in_dim3A_84 : vector<2720x1024xi1>, vector<2720x1024xi32>
    %reduce_min3A_86 = arith.constant dense<2147483647> : vector<1024xi32>
    %reduce_min3A_87 = vector.multi_reduction <minsi>, %select_n3A_85, %reduce_min3A_86 [0] : vector<2720x1024xi32> to vector<1024xi32>
    %broadcast_in_dim3A_88 = vector.shape_cast %reduce_min3A_87 : vector<1024xi32> to vector<1x1024xi32>
    %add3A_89 = arith.constant 5472 : i32
    %add3A_90 = vector.broadcast %add3A_89 : i32 to vector<1x1024xi32>
    %add3A_91 = arith.addi %broadcast_in_dim3A_88, %add3A_90 : vector<1x1024xi32>
    %lt3A_92 = arith.cmpf olt, %broadcast_in_dim3A_80, %select_n3A_63 : vector<1x1024xf32>
    %select_n3A_93 = arith.select %lt3A_92, %add3A_91, %select_n3A_60 : vector<1x1024xi1>, vector<1x1024xi32>
    %reshape3A = vector.shape_cast %select_n3A_93 : vector<1x1024xi32> to vector<1x1x1024xi32>
    %swap3A = arith.constant 0 : index
    %swap3A_94 = arith.constant 0 : index
    %swap3A_95 = arith.constant 0 : index
    %swap3A_96 = vector.load %arg3[%swap3A, %swap3A_94, %swap3A_95] : memref<1x1x1024xi32, #tpu.memory_space<vmem>>, vector<1x1x1024xi32>
    tpu.vector_store %arg3[%swap3A, %swap3A_94, %swap3A_95], %reshape3A {strides = array<i32>} : memref<1x1x1024xi32, #tpu.memory_space<vmem>>, vector<1x1x1024xi32>,
    return
  }
  func.func @transform_0(%arg0: i32) -> (i32, i32) {
    %c0_i32 = arith.constant 0 : i32
    %c0_i32_0 = arith.constant 0 : i32
    return %c0_i32, %arg0 : i32, i32
  }
  func.func @transform_1(%arg0: i32) -> (i32, i32) {
    %c0_i32 = arith.constant 0 : i32
    %c0_i32_0 = arith.constant 0 : i32
    %c0_i32_1 = arith.constant 0 : i32
    return %c0_i32, %c0_i32_0 : i32, i32
  }
  func.func @transform_2(%arg0: i32) -> (i32, i32, i32) {
    %c0_i32 = arith.constant 0 : i32
    %c0_i32_0 = arith.constant 0 : i32
    %c0_i32_1 = arith.constant 0 : i32
    return %arg0, %c0_i32, %c0_i32_0 : i32, i32, i32
  }
}

module attributes {stable_mosaic.version = 14 : i64} {
  func.func @_cbproj_body(%arg0: i32, %arg1: memref<512x256xf32, #tpu.memory_space<vmem>>, %arg2: memref<256x512xf32, #tpu.memory_space<vmem>>, %arg3: memref<1x512xf32, #tpu.memory_space<vmem>>, %arg4: memref<512x512xf32, #tpu.memory_space<vmem>>) attributes {dimension_semantics = [#tpu.dimension_semantics<arbitrary>], iteration_bounds = array<i64: 16>, scalar_prefetch = 0 : i64, scratch_operands = 0 : i64, tpu.core_type = #tpu.core_type<tc>, window_params = [{transform_indices = @transform_0, window_bounds = array<i64: 512, 256>}, {pipeline_mode = #tpu.pipeline_mode<synchronous>, transform_indices = @transform_1, window_bounds = array<i64: 256, 512>}, {pipeline_mode = #tpu.pipeline_mode<synchronous>, transform_indices = @transform_2, window_bounds = array<i64: 1, 512>}, {transform_indices = @transform_3, window_bounds = array<i64: 512, 512>}]} {
    %get3A = arith.constant 0 : index
    %get3A_0 = arith.constant 0 : index
    %get3A_1 = vector.load %arg1[%get3A, %get3A_0] : memref<512x256xf32, #tpu.memory_space<vmem>>, vector<512x256xf32>
    %get3A_2 = arith.constant 0 : index
    %get3A_3 = arith.constant 0 : index
    %get3A_4 = vector.load %arg2[%get3A_2, %get3A_3] : memref<256x512xf32, #tpu.memory_space<vmem>>, vector<256x512xf32>
    %dot_general3A = arith.constant dense<0.000000e+00> : vector<512x512xf32>
    %dot_general3A_5 = tpu.matmul %get3A_1, %get3A_4, %dot_general3A {dimension_numbers = #tpu.dot_dimension_numbers<[1], [0], [0], [1], [0, 0, 1, 1], [], []>, transpose_lhs_hint = false} : vector<512x256xf32>, vector<256x512xf32>, vector<512x512xf32> -> vector<512x512xf32>
    %get3A_6 = arith.constant 0 : index
    %get3A_7 = arith.constant 0 : index
    %get3A_8 = vector.load %arg3[%get3A_6, %get3A_7] : memref<1x512xf32, #tpu.memory_space<vmem>>, vector<1x512xf32>
    %add3A = vector.broadcast %get3A_8 : vector<1x512xf32> to vector<512x512xf32>
    %add3A_9 = arith.addf %dot_general3A_5, %add3A : vector<512x512xf32>
    %swap3A = arith.constant 0 : index
    %swap3A_10 = arith.constant 0 : index
    %swap3A_11 = vector.load %arg4[%swap3A, %swap3A_10] : memref<512x512xf32, #tpu.memory_space<vmem>>, vector<512x512xf32>
    tpu.vector_store %arg4[%swap3A, %swap3A_10], %add3A_9 {strides = array<i32>} : memref<512x512xf32, #tpu.memory_space<vmem>>, vector<512x512xf32>,
    return
  }
  func.func @transform_0(%arg0: i32) -> (i32, i32) {
    %c0_i32 = arith.constant 0 : i32
    %c0_i32_0 = arith.constant 0 : i32
    return %arg0, %c0_i32 : i32, i32
  }
  func.func @transform_1(%arg0: i32) -> (i32, i32) {
    %c0_i32 = arith.constant 0 : i32
    %c0_i32_0 = arith.constant 0 : i32
    %c0_i32_1 = arith.constant 0 : i32
    return %c0_i32, %c0_i32_0 : i32, i32
  }
  func.func @transform_2(%arg0: i32) -> (i32, i32) {
    %c0_i32 = arith.constant 0 : i32
    %c0_i32_0 = arith.constant 0 : i32
    %c0_i32_1 = arith.constant 0 : i32
    return %c0_i32, %c0_i32_0 : i32, i32
  }
  func.func @transform_3(%arg0: i32) -> (i32, i32) {
    %c0_i32 = arith.constant 0 : i32
    %c0_i32_0 = arith.constant 0 : i32
    return %arg0, %c0_i32 : i32, i32
  }
}

</mosaic_0001>

<sc_bundles>
// kernel: kernel.6.cloned.1.call-start
scs
__scs_entry_jumppad:
0x0: {  	(pc) =	sbr.rel $0x88, $3  }
0x1: {  	(tag) =	ssettag $0x0;
	lr =	simm.s32 $0x1  }
0x2: {  	[smem:$0x3F9B] =	sst lr;
	_ =	strace $0xD0000000  }
0x3: {  	_ = 	snop  }
0x4: {  	_ = 	snop  }
0x5: {  	_ = 	snop  }
0x6: {  	_ = 	snop  }
0x7: {  	_ = 	snop  }
__scs_overlays_trampoline_lowered:
0x8: {  	[smem:$0x3FAA] =	sst s0  }
0x9: {  	[smem:$0x3FAB] =	sst s1  }
0xa: {  	[smem:$0x3FAC] =	sst s2  }
0xb: {  	[smem:$0x3FAD] =	sst s3  }
0xc: {  	[smem:$0x3FAE] =	sst s4  }
0xd: {  	[smem:$0x3FAF] =	sst s5  }
0xe: {  	[smem:$0x3FB0] =	sst s6  }
0xf: {  	[smem:$0x3FB1] =	sst s7  }
0x10: {  	[smem:$0x3FB2] =	sst s8  }
0x11: {  	[smem:$0x3FB3] =	sst s9;
	s0 =	simm.s32 @!p0 $0x0  }
0x12: {  	s1 =	sld [smem:$0x3F99];
	s0 =	simm.s32 @p0 $0x1  }
0x13: {  	[smem:$0x3FB4] =	sst s0;
	s0 =	simm.s32 @!p1 $0x0  }
0x14: {  	s2 =	sld [smem:$0x3F98];
	s0 =	simm.s32 @p1 $0x1  }
0x15: {  	[smem:$0x3FB5] =	sst s0;
	s0 =	simm.s32 @!p2 $0x0  }
0x16: {  	s3 =	sld [smem:$0x3FDB];
	s0 =	simm.s32 @p2 $0x1  }
0x17: {  	s4 =	simm.s32 $0x1BF5;
	[smem:$0x3FB7] =	sst s0  }
0x18: {  	s0 =	sld [smem:$0x3F9A];
	_ =	swait.ge [sflag:s4], $0x0  }
0x19: {  	s7 =	sld [smem:$0x3F9B]  }
0x1a: {  	s8 =	sadd.s32 $0xFFFFE003, lr  }
0x1b: {  	s9 =	sadd.s32 $0xFFFFFEF7, lr;
	s5 =	simm.s32 $0xFFFFFFFF;
	p2 =	slt.u32 s8, $0xFFFFF086  }
0x1c: {  	p1 =	slt.u32 s9, $0xF7A;
	s5 =	simm.s32 @!p2 $0x0  }
0x1d: {  	s5 =	simm.s32 @p1 $0x1;
	p0 =	seq.s32 s7, s2  }
0x1e: {  	s7 =	smul.u32 @!p0 $0xF7A, s2;
	p2 =	seq.s32 @!p0 s5, $0x0  }
0x1f: {  	s9 =	smul.u32 $0xF7A, s1;
	s8 =	simm.s32 @!p0 $0x1BF5;
	p2 =	por !p2, p0  }
0x20: {  	[sflag:s8] =	ssyncset.s32 @!p0 $0xFFFFF086;
	s6 =	sadd.s32 @!p0 s3, s7;
	s7 =	simm.s32 @!p0 $0x108  }
0x21: {  	s3 =	sadd.s32 s3, s9;
	s6 =	sadd.s32 @!p0 $0x88, s6;
	s7 =	simm.s32 @p2 $0x1082  }
0x22: {  	[simem:s7], [sflag:s8] =	dma.local @!p0 [hbm:s6], $0xF7A  }
0x23: {  	s9 =	sor.u32 $0xD0000000, s2;
	s6 =	simm.s32 $0x108;
	_ =	swait.ge @!p0 [sflag:s8], $0x0  }
0x24: {  	s3 =	sadd.s32 $0x88, s3;
	s6 =	simm.s32 @!p1 $0x1082;
	[sflag:s4] =	ssyncset.s32 $0xFFFFF086  }
0x25: {  	[simem:s6], [sflag:s4] =	dma.local [hbm:s3], $0xF7A  }
0x26: {  	[smem:$0x3F9B] =	sst s1;
	(tag) =	ssettag s2;
	_ =	strace s9  }
0x27: {  	s1 =	sld [smem:$0x3FAB]  }
0x28: {  	s2 =	sld [smem:$0x3FAC]  }
0x29: {  	s4 =	sld [smem:$0x3FAE]  }
0x2a: {  	p0 =	seq.s32 s5, $0x0;
	s5 =	sld [smem:$0x3FAF]  }
0x2b: {  	s6 =	sld [smem:$0x3FB0]  }
0x2c: {  	s7 =	sld [smem:$0x3FB1]  }
0x2d: {  	s3 =	simm.s32 $0x108;
	s8 =	sld [smem:$0x3FB2]  }
0x2e: {  	s3 =	simm.s32 @!p0 $0x1082;
	s9 =	sld [smem:$0x3FB3]  }
0x2f: {  	lr =	sadd.s32 s0, s3;
	s0 =	sld [smem:$0x3FAA]  }
0x30: {  	s3 =	sld [smem:$0x3FAD]  }
0x31: {  	[smem:$0x3FB6] =	sst s10  }
0x32: {  	s10 =	sld [smem:$0x3FB4];
	_ =	sdelay $0x3  }
0x33: {  	p0 =	seq.s32 s10, $0x1;
	s10 =	sld [smem:$0x3FB6];
	_ =	sdelay $0x3  }
0x34: {  	[smem:$0x3FB6] =	sst s10  }
0x35: {  	s10 =	sld [smem:$0x3FB5];
	_ =	sdelay $0x3  }
0x36: {  	p1 =	seq.s32 s10, $0x1;
	s10 =	sld [smem:$0x3FB6];
	_ =	sdelay $0x3  }
0x37: {  	[smem:$0x3FB6] =	sst s10  }
0x38: {  	s10 =	sld [smem:$0x3FB7]  }
0x39: {  	_ = 	snop;
	(pc) =	sbr.ind lr, $3  }
0x3a: {  	_ = 	snop  }
0x3b: {  	_ = 	snop  }
0x3c: {  	p2 =	seq.s32 s10, $0x1;
	s10 =	sld [smem:$0x3FB6]  }
0x3d: {  	_ =	shalt  }
0x3e: {  	_ =	shalt  }
0x3f: {  	_ =	shalt  }
0x40: {  	_ =	shalt  }
0x41: {  	_ =	shalt  }
0x42: {  	_ =	shalt  }
0x43: {  	_ =	shalt  }
0x44: {  	_ =	shalt  }
0x45: {  	_ =	shalt  }
0x46: {  	_ =	shalt  }
0x47: {  	_ =	shalt  }
0x48: {  	_ =	shalt  }
0x49: {  	_ =	shalt  }
0x4a: {  	_ =	shalt  }
0x4b: {  	_ =	shalt  }
0x4c: {  	_ =	shalt  }
0x4d: {  	_ =	shalt  }
0x4e: {  	_ =	shalt  }
0x4f: {  	_ =	shalt  }
0x50: {  	_ =	shalt  }
0x51: {  	_ =	shalt  }
0x52: {  	_ =	shalt  }
0x53: {  	_ =	shalt  }
0x54: {  	_ =	shalt  }
0x55: {  	_ =	shalt  }
0x56: {  	_ =	shalt  }
0x57: {  	_ =	shalt  }
0x58: {  	_ =	shalt  }
0x59: {  	_ =	shalt  }
0x5a: {  	_ =	shalt  }
0x5b: {  	_ =	shalt  }
0x5c: {  	_ =	shalt  }
0x5d: {  	_ =	shalt  }
0x5e: {  	_ =	shalt  }
0x5f: {  	_ =	shalt  }
0x60: {  	_ =	shalt  }
0x61: {  	_ =	shalt  }
0x62: {  	_ =	shalt  }
0x63: {  	_ =	shalt  }
0x64: {  	_ =	shalt  }
0x65: {  	_ =	shalt  }
0x66: {  	_ =	shalt  }
0x67: {  	_ =	shalt  }
0x68: {  	_ =	shalt  }
0x69: {  	_ =	shalt  }
0x6a: {  	_ =	shalt  }
0x6b: {  	_ =	shalt  }
0x6c: {  	_ =	shalt  }
0x6d: {  	_ =	shalt  }
0x6e: {  	_ =	shalt  }
0x6f: {  	_ =	shalt  }
0x70: {  	_ =	shalt  }
0x71: {  	_ =	shalt  }
0x72: {  	_ =	shalt  }
0x73: {  	_ =	shalt  }
0x74: {  	_ =	shalt  }
0x75: {  	_ =	shalt  }
0x76: {  	_ =	shalt  }
0x77: {  	_ =	shalt  }
0x78: {  	_ =	shalt  }
0x79: {  	_ =	shalt  }
0x7a: {  	_ =	shalt  }
0x7b: {  	_ =	shalt  }
0x7c: {  	_ =	shalt  }
0x7d: {  	_ =	shalt  }
0x7e: {  	_ =	shalt  }
0x7f: {  	_ =	shalt  }
0x80: {  	_ =	shalt  }
0x81: {  	_ =	shalt  }
0x82: {  	_ =	shalt  }
0x83: {  	_ =	shalt  }
0x84: {  	_ =	shalt  }
0x85: {  	_ =	shalt  }
0x86: {  	_ =	shalt  }
0x87: {  	_ =	shalt  }
.Lfunc_end0:
.L_simem_size_0:
called_computation_lowered:
.L_overlay_start_0:
0x88: {  	s2 =	sld [smem:$0x3FD9]  }
0x89: {  	s3 =	sld [smem:$0x3FFE];
	_ =	sdelay $0x1  }
0x8a: {  	s1 =	srdreg.scid  }
0x8b: {  	s0 =	sand.u32 $0x1, s1  }
0x8c: {  	s15 =	sshll.u32 s0, $0xA;
	s2 =	sadd.s32 s3, s2  }
0x8d: {  	s2 =	sadd.s32 s2, s15  }
0x8e: {  	[smem:$0x3FC2] =	sst s2  }
0x8f: {  	_ = 	snop  }
0x90: {  	s2 =	sld [smem:$0x3FD0];
	_ =	sdelay $0x2  }
0x91: {  	s4 =	simm.s32 $0xA;
	s5 =	simm.s32 $0x10;
	s16 =	sld [smem:$0x3FC6]  }
0x92: {  	[smem:s5], [sflag:s4] =	dma.local [hbm:s2], $0x1  }
0x93: {  	_ =	swait.eq [sflag:s4], $0x1  }
0x94: {  	s17 =	sld [smem:$0x10]  }
0x95: {  	s18 =	sld [smem:$0x11];
	[sflag:s4] =	ssyncset.done $0x0  }
0x96: {  	s6 =	sld [smem:$0x12];
	[sflag:s4] =	ssyncadd.s32 $0xFFFFFFFF  }
0x97: {  	s19 =	sld [smem:$0x13];
	(tm) =	ssettm $0x1  }
0x98: {  	s7 =	sld [smem:$0x3FFB];
	_ =	sdelay $0x3  }
0x99: {  	_ =	strace s7  }
0x9a: {  	s7 =	sld [smem:$0x3FFC];
	_ =	sdelay $0x3  }
0x9b: {  	_ =	strace s7  }
0x9c: {  	s7 =	sld [smem:$0x3FFD];
	_ =	sdelay $0x3  }
0x9d: {  	_ =	strace s7  }
0x9e: {  	_ =	strace $0x8FFFFFFF  }
0x9f: {  	s20 =	sld [smem:$0x3FDB];
	_ =	sdelay $0x1  }
0xa0: {  	s8 =	simm.s32 $_scs_section_size  }
0xa1: {  	s9 =	simm.s32 $_size__tile_overlayer_lowered;
	s10 =	simm.s32 $_tile_overlayer_lowered  }
0xa2: {  	s23 =	simm.s32 $0x1BFF;
	s22 =	sshll.u32 s10, $0x1;
	s7 =	sadd.s32 s8, s20  }
0xa3: {  	s11 =	simm.s32 $0x0;
	s21 =	sshll.u32 s9, $0x1;
	s9 =	sadd.s32 s22, s7  }
0xa4: {  	[timem:s11], [sflag:s23] =	dma.local [hbm:s9], s21  }
0xa5: {  	_ =	swait.ge [sflag:s23], s21  }
0xa6: {  	s8 =	ssub.s32 $0x0, s21;
	[sflag:s23] =	ssyncset.done $0x0  }
0xa7: {  	[sflag:s23] =	ssyncadd.s32 s8;
	_ =	sdelay $0x1  }
0xa8: {  	s24 =	simm.s32 $0x1B8B  }
0xa9: {  	_ =	swait.ge [sflag:s24], $0x1  }
0xaa: {  	[sflag:s24] =	ssyncset.done $0x0  }
0xab: {  	s25 =	simm.s32 $0x1B8E;
	[sflag:s24] =	ssyncadd.s32 $0xFFFFFFFF  }
0xac: {  	s26 =	simm.s32 $execute0_lowered;
	[smem:$0x3FD2] =	sst s25  }
0xad: {  	s8 =	sshll.u32 s26, $0x1;
	_ =	strace $0x80000046;
	[dreg:$0x1] =	wrdreg $0xFFFFFFFF  }
0xae: {  	s28 =	simm.s32 $_size_execute0_lowered;
	s7 =	sadd.s32 s7, s8;
	[dreg:$0x0] =	wrdreg $0x0  }
0xaf: {  	s8 =	sshll.u32 s28, $0x1;
	[dreg:$0x2] =	wrdreg s7  }
0xb0: {  	[dreg:$0x3] =	wrdreg s8  }
0xb1: {  	[dreg:$0x4] =	wrdreg $0xC0  }
0xb2: {  	_ =	task [dreg:s11], $0x5FFFF  }
0xb3: {  	[dreg:$0x1] =	wrdreg $0xFFFFFFFF  }
0xb4: {  	[dreg:$0x0] =	wrdreg $0x60  }
0xb5: {  	[dreg:$0x2] =	wrdreg s17  }
0xb6: {  	[dreg:$0x3] =	wrdreg s16  }
0xb7: {  	[dreg:$0x4] =	wrdreg s19  }
0xb8: {  	[dreg:$0x5] =	wrdreg s6  }
0xb9: {  	[dreg:$0x6] =	wrdreg s18  }
0xba: {  	[dreg:$0x7] =	wrdreg $0x9  }
0xbb: {  	_ =	task.clear_ibuf [dreg:s11], $0x8FFFF;
	_ =	strace $0x90000046  }
0xbc: {  	s29 =	simm.s32 $0x9;
	_ =	strace $0x80000048  }
0xbd: {  	_ =	swait.ge [sflag:s29], $0x1  }
0xbe: {  	[sflag:s29] =	ssyncadd.s32 $0xFFFFFFFF  }
0xbf: {  	_ =	strace $0x90000048  }
0xc0: {  	_ =	sfence  }
0xc1: {  	s30 =	sld [smem:$0x0];
	_ =	sdelay $0x2  }
0xc2: {  	s31 =	sshll.u32 s1, $0xD;
	s1 =	sshrl.u32 s1, $0x2  }
0xc3: {  	s3 =	sand.u32 $0x4000, s31;
	s1 =	sadd.s32 s1, s30  }
0xc4: {  	s0 =	sor.u32 s3, s0;
	s1 =	sshll.u32 s1, $0x11  }
0xc5: {  	s0 =	sor.u32 s1, s0  }
0xc6: {  	s0 =	sadd.s32 $0x8F2B, s0  }
0xc7: {  	[sflag:s0] =	ssyncadd.remote.s32 $0x1  }
0xc8: {  	_ =	sfence.sel $0xFFFF  }
0xc9: {  	[dreg:$0x0] =	wrdreg $0xFFFFFFFF;
	(pc) =	sbr.abs _section_cstart, $3  }
0xca: {  	[dreg:$0x1] =	wrdreg $0xFFFFFFFF  }
0xcb: {  	_ =	task.clear_ibuf [dreg:s11], $0x2FFFF;
	_ =	strace $0x9FFFFFFF  }
0xcc: {  	(tm) =	ssettm $0x7FFFFFFF  }
0xcd: {  	_ =	shalt  }
tec
execute0_lowered:
.L_overlay_start_1:
0x0: {  	(tag) =	ssettag $0x1  }
0x1: {  	s5 =	rddreg [dreg:$0x0]  }
0x2: {  	s1 =	rddreg [dreg:$0x1]  }
0x3: {  	s2 =	rddreg [dreg:$0x2]  }
0x4: {  	s0 =	srdreg.scid;
	s3 =	rddreg [dreg:$0x3]  }
0x5: {  	s4 =	stileid.u32;
	s6 =	sand.u32 $0x1, s0;
	s0 =	rddreg [dreg:$0x4]  }
0x6: {  	s7 =	sshll.u32 s4, $0xA;
	s4 =	simm.s32 $0x0;
	s8 =	sshll.u32 s6, $0x9  }
0x7: {  	[smem:$0x7FF] =	sst s4;
	s7 =	sor.u32 s8, s7  }
0x8: {  	s6 =	ssub.s32 $0x2, s6;
	_ =	strace $0x80000047;
	s8 =	sshrl.u32 s7, $0x3  }
0x9: {  	s24 =	sshll.u32 s7, $0x5;
	s7 =	sshll.u32 s7, $0x6;
	s5 =	sadd.s32 s5, s8  }
0xa: {  	s9 =	sor.u32 $0x8, s8;
	s25 =	sadd.s32 s0, s7;
	s31 =	sor.u32 $0x10, s8  }
0xb: {  	s10 =	sor.u32 $0x18, s8;
	s16 =	sor.u32 $0x20, s8;
	s18 =	sor.u32 $0x28, s8  }
0xc: {  	[dreg:$0x6] =	wrdreg s5;
	s5 =	sadd.s32 s3, s24;
	s26 =	sshll.u32 s9, $0x8  }
0xd: {  	[dreg:$0x8] =	wrdreg s25;
	s29 =	sshll.u32 s9, $0x9;
	s9 =	sshll.u32 s31, $0x8  }
0xe: {  	s7 =	sshll.u32 s31, $0x9;
	s12 =	sshll.u32 s10, $0x8;
	s14 =	sshll.u32 s10, $0x9  }
0xf: {  	s17 =	sshll.u32 s16, $0x8;
	s20 =	sshll.u32 s18, $0x8;
	s22 =	sshll.u32 s18, $0x9  }
0x10: {  	s24 =	sor.u32 $0x30, s8;
	s8 =	sor.u32 $0x38, s8;
	s10 =	simm.s32 $0x1  }
0x11: {  	[dreg:$0x7] =	wrdreg s5;
	s28 =	sadd.s32 s3, s26;
	s30 =	sadd.s32 s0, s29  }
0x12: {  	s5 =	sadd.s32 s3, s9;
	s11 =	sadd.s32 s0, s7;
	[dreg:$0x9] =	wrdreg s28  }
0x13: {  	s13 =	sadd.s32 s3, s12;
	s15 =	sadd.s32 s0, s14;
	[dreg:$0xa] =	wrdreg s30  }
0x14: {  	s7 =	sshll.u32 s16, $0x9;
	s21 =	sadd.s32 s3, s20;
	[dreg:$0xb] =	wrdreg s5  }
0x15: {  	s23 =	sadd.s32 s0, s22;
	s25 =	sshll.u32 s24, $0x8;
	[dreg:$0xc] =	wrdreg s11  }
0x16: {  	s29 =	sshll.u32 s8, $0x9;
	s12 =	simm.s32 $0x2;
	[dreg:$0xd] =	wrdreg s13  }
0x17: {  	s22 =	simm.s32 $0x8200;
	s16 =	simm.s32 $0x10200;
	[dreg:$0xe] =	wrdreg s15  }
0x18: {  	s5 =	sadd.s32 s3, s17;
	s19 =	sadd.s32 s0, s7;
	[dreg:$0x11] =	wrdreg s21  }
0x19: {  	[dreg:$0x12] =	wrdreg s23;
	s7 =	sshll.u32 s24, $0x9;
	s28 =	sshll.u32 s8, $0x8  }
0x1a: {  	s30 =	sshrl.u32 s6, $0x1;
	s11 =	simm.s32 $0x3;
	[dreg:$0xf] =	wrdreg s5  }
0x1b: {  	s13 =	simm.s32 $0x4;
	[dreg:$0x10] =	wrdreg s19;
	s5 =	sadd.s32 s3, s25  }
0x1c: {  	s17 =	simm.s32 $0x4200;
	s26 =	sadd.s32 s0, s7;
	[dreg:$0x13] =	wrdreg s5  }
0x1d: {  	v2 =	vlaneseq.u32;
	s3 =	sadd.s32 s3, s28;
	s0 =	sadd.s32 s0, s29;
	[dreg:$0x14] =	wrdreg s26  }
0x1e: {  	vm0 =	vmmov $0xffff;
	v1 =	vshrl.u32 v2, $0x3;
	s31 =	ssub.s32 s6, s30;
	s7 =	simm.s32 $0x5;
	[dreg:$0x15] =	wrdreg s3  }
0x1f: {  	v0 =	vand.u32 $0x7, v2;
	v2 =	vor.u32 $0x8, v2;
	v1 =	vmul.u32 $0x8, v1;
	s5 =	sadd.s32 $0x100, s2;
	[dreg:$0x16] =	wrdreg s0;
	s6 =	smax.u32 s31, $0x1  }
.LBB2_1:
0x20: {  	s14 =	rddreg [dreg:$0x6]  }
0x21: {  	[tilespmem:s4], [sflag:$0x5] =	stream.linear.gather [hbm4b:s14+s4], $0x200, $0x38;
	[tilespmem:$0x18200] =	vst v63  }
0x22: {  	_ =	swait.ge [sflag:s7], $0x200  }
0x23: {  	[sflag:s7] =	ssyncset.done $0x0  }
0x24: {  	[sflag:s7] =	ssyncadd.s32 $0xFFFFFE00  }
0x25: {  	v3 =	vld [tilespmem:$0x0];
	_ =	sdelay $0x4  }
0x26: {  	v4 =	vshll.u32 v3, $0x1  }
0x27: {  	v3 =	vand.u32 $0x7, v3;
	v4 =	vand.u32 $0xFFFFFFF0, v4  }
0x28: {  	v3 =	vor.u32 v3, v4  }
0x29: {  	v4 =	vperm.xlane v3, v0;
	_ =	sdelay $0x1  }
0x2a: {  	v3 =	vperm.xlane v3, v2;
	v4 =	vadd.s32 v1, v4;
	_ =	sdelay $0x1  }
0x2b: {  	v3 =	vadd.s32 v1, v3;
	_ =	sdelay $0x1  }
0x2c: {  	s0 =	simm.s32 $0x200  }
0x2d: {  	[tilespmem:s0], [sflag:$0x1] =	stream.indirect_vreg.gather [hbm4b:s1+s4], $0x80, v4, vm0, $0xb8;
	[tilespmem:$0x18200] =	vst v63  }
0x2e: {  	s3 =	simm.s32 $0xA00  }
0x2f: {  	[tilespmem:s3], [sflag:$0x1] =	stream.indirect_vreg.gather [hbm4b:s1+s4], $0x80, v3, vm0, $0xb8;
	[tilespmem:$0x18200] =	vst v63  }
0x30: {  	v3 =	vld [tilespmem:$0x10];
	_ =	sdelay $0x4  }
0x31: {  	v57 =	vshll.u32 v3, $0x1  }
0x32: {  	v3 =	vand.u32 $0x7, v3;
	v4 =	vand.u32 $0xFFFFFFF0, v57  }
0x33: {  	v3 =	vor.u32 v3, v4  }
0x34: {  	v4 =	vperm.xlane v3, v0;
	_ =	sdelay $0x1  }
0x35: {  	v3 =	vperm.xlane v3, v2;
	v4 =	vadd.s32 v1, v4;
	_ =	sdelay $0x1  }
0x36: {  	v3 =	vadd.s32 v1, v3;
	_ =	sdelay $0x1  }
0x37: {  	s28 =	simm.s32 $0x1200  }
0x38: {  	[tilespmem:s28], [sflag:$0x1] =	stream.indirect_vreg.gather [hbm4b:s1+s4], $0x80, v4, vm0, $0xb8;
	[tilespmem:$0x18200] =	vst v63  }
0x39: {  	s29 =	simm.s32 $0x1A00  }
0x3a: {  	[tilespmem:s29], [sflag:$0x1] =	stream.indirect_vreg.gather [hbm4b:s1+s4], $0x80, v3, vm0, $0xb8;
	[tilespmem:$0x18200] =	vst v63  }
0x3b: {  	v3 =	vld [tilespmem:$0x20];
	_ =	sdelay $0x4  }
0x3c: {  	v58 =	vshll.u32 v3, $0x1  }
0x3d: {  	v3 =	vand.u32 $0x7, v3;
	v4 =	vand.u32 $0xFFFFFFF0, v58  }
0x3e: {  	v3 =	vor.u32 v3, v4  }
0x3f: {  	v4 =	vperm.xlane v3, v0;
	_ =	sdelay $0x1  }
0x40: {  	v3 =	vperm.xlane v3, v2;
	v4 =	vadd.s32 v1, v4;
	_ =	sdelay $0x1  }
0x41: {  	v3 =	vadd.s32 v1, v3;
	_ =	sdelay $0x1  }
0x42: {  	s30 =	simm.s32 $0x2200  }
0x43: {  	[tilespmem:s30], [sflag:$0x1] =	stream.indirect_vreg.gather [hbm4b:s1+s4], $0x80, v4, vm0, $0xb8;
	[tilespmem:$0x18200] =	vst v63  }
0x44: {  	s31 =	simm.s32 $0x2A00  }
0x45: {  	[tilespmem:s31], [sflag:$0x1] =	stream.indirect_vreg.gather [hbm4b:s1+s4], $0x80, v3, vm0, $0xb8;
	[tilespmem:$0x18200] =	vst v63  }
0x46: {  	v3 =	vld [tilespmem:$0x30];
	_ =	sdelay $0x4  }
0x47: {  	v59 =	vshll.u32 v3, $0x1  }
0x48: {  	v3 =	vand.u32 $0x7, v3;
	v4 =	vand.u32 $0xFFFFFFF0, v59  }
0x49: {  	v3 =	vor.u32 v3, v4  }
0x4a: {  	v4 =	vperm.xlane v3, v0;
	_ =	sdelay $0x1  }
0x4b: {  	v3 =	vperm.xlane v3, v2;
	v4 =	vadd.s32 v1, v4;
	_ =	sdelay $0x1  }
0x4c: {  	v3 =	vadd.s32 v1, v3;
	_ =	sdelay $0x1  }
0x4d: {  	s14 =	simm.s32 $0x3200  }
0x4e: {  	[tilespmem:s14], [sflag:$0x1] =	stream.indirect_vreg.gather [hbm4b:s1+s4], $0x80, v4, vm0, $0xb8;
	[tilespmem:$0x18200] =	vst v63  }
0x4f: {  	s18 =	simm.s32 $0x3A00  }
0x50: {  	[tilespmem:s18], [sflag:$0x1] =	stream.indirect_vreg.gather [hbm4b:s1+s4], $0x80, v3, vm0, $0xb8;
	[tilespmem:$0x18200] =	vst v63  }
0x51: {  	v3 =	vld [tilespmem:$0x0];
	_ =	sdelay $0x4  }
0x52: {  	v60 =	vshll.u32 v3, $0x2  }
0x53: {  	v3 =	vand.u32 $0x7, v3;
	v4 =	vand.u32 $0xFFFFFFE0, v60  }
0x54: {  	v3 =	vor.u32 v3, v4  }
0x55: {  	v4 =	vperm.xlane v3, v0;
	_ =	sdelay $0x1  }
0x56: {  	v4 =	vadd.s32 v1, v4;
	_ =	sdelay $0x1  }
0x57: {  	v3 =	vperm.xlane v3, v2;
	_ =	sdelay $0x1  }
0x58: {  	v3 =	vadd.s32 v1, v3  }
0x59: {  	[tilespmem:s22], [sflag:$0x3] =	stream.indirect_vreg.gather [hbm4b:s2+s4], $0x80, v4, vm0, $0xb8;
	[tilespmem:$0x18200] =	vst v63  }
0x5a: {  	s19 =	simm.s32 $0x8A00  }
0x5b: {  	[tilespmem:s19], [sflag:$0x3] =	stream.indirect_vreg.gather [hbm4b:s5+s4], $0x80, v4, vm0, $0xb8;
	[tilespmem:$0x18200] =	vst v63  }
0x5c: {  	s20 =	simm.s32 $0x9200  }
0x5d: {  	[tilespmem:s20], [sflag:$0x3] =	stream.indirect_vreg.gather [hbm4b:s2+s4], $0x80, v3, vm0, $0xb8;
	[tilespmem:$0x18200] =	vst v63  }
0x5e: {  	s21 =	simm.s32 $0x9A00  }
0x5f: {  	[tilespmem:s21], [sflag:$0x3] =	stream.indirect_vreg.gather [hbm4b:s5+s4], $0x80, v3, vm0, $0xb8;
	[tilespmem:$0x18200] =	vst v63  }
0x60: {  	v3 =	vld [tilespmem:$0x10];
	_ =	sdelay $0x4  }
0x61: {  	v61 =	vshll.u32 v3, $0x2  }
0x62: {  	v3 =	vand.u32 $0x7, v3;
	v4 =	vand.u32 $0xFFFFFFE0, v61  }
0x63: {  	v3 =	vor.u32 v3, v4  }
0x64: {  	v4 =	vperm.xlane v3, v0;
	_ =	sdelay $0x1  }
0x65: {  	v4 =	vadd.s32 v1, v4;
	_ =	sdelay $0x1  }
0x66: {  	v3 =	vperm.xlane v3, v2;
	_ =	sdelay $0x1  }
0x67: {  	s23 =	simm.s32 $0xA200;
	v3 =	vadd.s32 v1, v3  }
0x68: {  	[tilespmem:s23], [sflag:$0x3] =	stream.indirect_vreg.gather [hbm4b:s2+s4], $0x80, v4, vm0, $0xb8;
	[tilespmem:$0x18200] =	vst v63  }
0x69: {  	s24 =	simm.s32 $0xAA00  }
0x6a: {  	[tilespmem:s24], [sflag:$0x3] =	stream.indirect_vreg.gather [hbm4b:s5+s4], $0x80, v4, vm0, $0xb8;
	[tilespmem:$0x18200] =	vst v63  }
0x6b: {  	s25 =	simm.s32 $0xB200  }
0x6c: {  	[tilespmem:s25], [sflag:$0x3] =	stream.indirect_vreg.gather [hbm4b:s2+s4], $0x80, v3, vm0, $0xb8;
	[tilespmem:$0x18200] =	vst v63  }
0x6d: {  	s26 =	simm.s32 $0xBA00  }
0x6e: {  	[tilespmem:s26], [sflag:$0x3] =	stream.indirect_vreg.gather [hbm4b:s5+s4], $0x80, v3, vm0, $0xb8;
	[tilespmem:$0x18200] =	vst v63  }
0x6f: {  	v3 =	vld [tilespmem:$0x20];
	_ =	sdelay $0x4  }
0x70: {  	v62 =	vshll.u32 v3, $0x2  }
0x71: {  	v3 =	vand.u32 $0x7, v3;
	v4 =	vand.u32 $0xFFFFFFE0, v62  }
0x72: {  	v3 =	vor.u32 v3, v4  }
0x73: {  	v4 =	vperm.xlane v3, v0;
	_ =	sdelay $0x1  }
0x74: {  	v4 =	vadd.s32 v1, v4;
	_ =	sdelay $0x1  }
0x75: {  	v3 =	vperm.xlane v3, v2;
	_ =	sdelay $0x1  }
0x76: {  	s28 =	simm.s32 $0xC200;
	v3 =	vadd.s32 v1, v3  }
0x77: {  	[tilespmem:s28], [sflag:$0x3] =	stream.indirect_vreg.gather [hbm4b:s2+s4], $0x80, v4, vm0, $0xb8;
	[tilespmem:$0x18200] =	vst v63  }
0x78: {  	s29 =	simm.s32 $0xCA00  }
0x79: {  	[tilespmem:s29], [sflag:$0x3] =	stream.indirect_vreg.gather [hbm4b:s5+s4], $0x80, v4, vm0, $0xb8;
	[tilespmem:$0x18200] =	vst v63  }
0x7a: {  	s30 =	simm.s32 $0xD200  }
0x7b: {  	[tilespmem:s30], [sflag:$0x3] =	stream.indirect_vreg.gather [hbm4b:s2+s4], $0x80, v3, vm0, $0xb8;
	[tilespmem:$0x18200] =	vst v63  }
0x7c: {  	s31 =	simm.s32 $0xDA00  }
0x7d: {  	[tilespmem:s31], [sflag:$0x3] =	stream.indirect_vreg.gather [hbm4b:s5+s4], $0x80, v3, vm0, $0xb8;
	[tilespmem:$0x18200] =	vst v63  }
0x7e: {  	v3 =	vld [tilespmem:$0x30];
	_ =	sdelay $0x4  }
0x7f: {  	v63 =	vshll.u32 v3, $0x2  }
0x80: {  	v3 =	vand.u32 $0x7, v3;
	v4 =	vand.u32 $0xFFFFFFE0, v63  }
0x81: {  	v3 =	vor.u32 v3, v4  }
0x82: {  	v4 =	vperm.xlane v3, v0;
	_ =	sdelay $0x1  }
0x83: {  	v4 =	vadd.s32 v1, v4;
	_ =	sdelay $0x1  }
0x84: {  	v3 =	vperm.xlane v3, v2;
	_ =	sdelay $0x1  }
0x85: {  	s14 =	simm.s32 $0xE200;
	v3 =	vadd.s32 v1, v3  }
0x86: {  	[tilespmem:s14], [sflag:$0x3] =	stream.indirect_vreg.gather [hbm4b:s2+s4], $0x80, v4, vm0, $0xb8;
	[tilespmem:$0x18200] =	vst v63  }
0x87: {  	s21 =	simm.s32 $0xEA00  }
0x88: {  	[tilespmem:s21], [sflag:$0x3] =	stream.indirect_vreg.gather [hbm4b:s5+s4], $0x80, v4, vm0, $0xb8;
	[tilespmem:$0x18200] =	vst v63  }
0x89: {  	s23 =	simm.s32 $0xF200  }
0x8a: {  	[tilespmem:s23], [sflag:$0x3] =	stream.indirect_vreg.gather [hbm4b:s2+s4], $0x80, v3, vm0, $0xb8;
	[tilespmem:$0x18200] =	vst v63  }
0x8b: {  	s24 =	simm.s32 $0xFA00  }
0x8c: {  	[tilespmem:s24], [sflag:$0x3] =	stream.indirect_vreg.gather [hbm4b:s5+s4], $0x80, v3, vm0, $0xb8;
	[tilespmem:$0x18200] =	vst v63  }
0x8d: {  	v3 =	vld [tilespmem:$0x40];
	_ =	sdelay $0x4  }
0x8e: {  	v8 =	vshll.u32 v3, $0x1  }
0x8f: {  	v3 =	vand.u32 $0x7, v3;
	v4 =	vand.u32 $0xFFFFFFF0, v8  }
0x90: {  	v3 =	vor.u32 v3, v4  }
0x91: {  	v4 =	vperm.xlane v3, v0;
	_ =	sdelay $0x1  }
0x92: {  	v3 =	vperm.xlane v3, v2;
	v4 =	vadd.s32 v1, v4;
	_ =	sdelay $0x1  }
0x93: {  	v3 =	vadd.s32 v1, v3;
	_ =	sdelay $0x2  }
0x94: {  	[tilespmem:s17], [sflag:$0x2] =	stream.indirect_vreg.gather [hbm4b:s1+s4], $0x80, v4, vm0, $0xb8;
	[tilespmem:$0x18200] =	vst v63  }
0x95: {  	s25 =	simm.s32 $0x4A00  }
0x96: {  	[tilespmem:s25], [sflag:$0x2] =	stream.indirect_vreg.gather [hbm4b:s1+s4], $0x80, v3, vm0, $0xb8;
	[tilespmem:$0x18200] =	vst v63  }
0x97: {  	v3 =	vld [tilespmem:$0x50];
	_ =	sdelay $0x4  }
0x98: {  	v9 =	vshll.u32 v3, $0x1  }
0x99: {  	v3 =	vand.u32 $0x7, v3;
	v4 =	vand.u32 $0xFFFFFFF0, v9  }
0x9a: {  	v3 =	vor.u32 v3, v4  }
0x9b: {  	v4 =	vperm.xlane v3, v0;
	_ =	sdelay $0x1  }
0x9c: {  	v3 =	vperm.xlane v3, v2;
	v4 =	vadd.s32 v1, v4;
	_ =	sdelay $0x1  }
0x9d: {  	v3 =	vadd.s32 v1, v3;
	_ =	sdelay $0x1  }
0x9e: {  	s26 =	simm.s32 $0x5200  }
0x9f: {  	[tilespmem:s26], [sflag:$0x2] =	stream.indirect_vreg.gather [hbm4b:s1+s4], $0x80, v4, vm0, $0xb8;
	[tilespmem:$0x18200] =	vst v63  }
0xa0: {  	s28 =	simm.s32 $0x5A00  }
0xa1: {  	[tilespmem:s28], [sflag:$0x2] =	stream.indirect_vreg.gather [hbm4b:s1+s4], $0x80, v3, vm0, $0xb8;
	[tilespmem:$0x18200] =	vst v63  }
0xa2: {  	v3 =	vld [tilespmem:$0x60];
	_ =	sdelay $0x4  }
0xa3: {  	v10 =	vshll.u32 v3, $0x1  }
0xa4: {  	v3 =	vand.u32 $0x7, v3;
	v4 =	vand.u32 $0xFFFFFFF0, v10  }
0xa5: {  	v3 =	vor.u32 v3, v4  }
0xa6: {  	v4 =	vperm.xlane v3, v0;
	_ =	sdelay $0x1  }
0xa7: {  	v3 =	vperm.xlane v3, v2;
	v4 =	vadd.s32 v1, v4;
	_ =	sdelay $0x1  }
0xa8: {  	v3 =	vadd.s32 v1, v3;
	_ =	sdelay $0x1  }
0xa9: {  	s29 =	simm.s32 $0x6200  }
0xaa: {  	[tilespmem:s29], [sflag:$0x2] =	stream.indirect_vreg.gather [hbm4b:s1+s4], $0x80, v4, vm0, $0xb8;
	[tilespmem:$0x18200] =	vst v63  }
0xab: {  	s30 =	simm.s32 $0x6A00  }
0xac: {  	[tilespmem:s30], [sflag:$0x2] =	stream.indirect_vreg.gather [hbm4b:s1+s4], $0x80, v3, vm0, $0xb8;
	[tilespmem:$0x18200] =	vst v63  }
0xad: {  	v3 =	vld [tilespmem:$0x70];
	_ =	sdelay $0x4  }
0xae: {  	v11 =	vshll.u32 v3, $0x1  }
0xaf: {  	v3 =	vand.u32 $0x7, v3;
	v4 =	vand.u32 $0xFFFFFFF0, v11  }
0xb0: {  	v3 =	vor.u32 v3, v4  }
0xb1: {  	v4 =	vperm.xlane v3, v0;
	_ =	sdelay $0x1  }
0xb2: {  	v3 =	vperm.xlane v3, v2;
	v4 =	vadd.s32 v1, v4;
	_ =	sdelay $0x1  }
0xb3: {  	v3 =	vadd.s32 v1, v3;
	_ =	sdelay $0x1  }
0xb4: {  	s31 =	simm.s32 $0x7200  }
0xb5: {  	[tilespmem:s31], [sflag:$0x2] =	stream.indirect_vreg.gather [hbm4b:s1+s4], $0x80, v4, vm0, $0xb8;
	[tilespmem:$0x18200] =	vst v63  }
0xb6: {  	s21 =	simm.s32 $0x7A00  }
0xb7: {  	[tilespmem:s21], [sflag:$0x2] =	stream.indirect_vreg.gather [hbm4b:s1+s4], $0x80, v3, vm0, $0xb8;
	[tilespmem:$0x18200] =	vst v63  }
0xb8: {  	v3 =	vld [tilespmem:$0x40];
	_ =	sdelay $0x4  }
0xb9: {  	v12 =	vshll.u32 v3, $0x2  }
0xba: {  	v3 =	vand.u32 $0x7, v3;
	v4 =	vand.u32 $0xFFFFFFE0, v12  }
0xbb: {  	v3 =	vor.u32 v3, v4  }
0xbc: {  	v4 =	vperm.xlane v3, v0;
	_ =	sdelay $0x1  }
0xbd: {  	v4 =	vadd.s32 v1, v4;
	_ =	sdelay $0x1  }
0xbe: {  	v3 =	vperm.xlane v3, v2;
	_ =	sdelay $0x1  }
0xbf: {  	v3 =	vadd.s32 v1, v3  }
0xc0: {  	[tilespmem:s16], [sflag:$0x4] =	stream.indirect_vreg.gather [hbm4b:s2+s4], $0x80, v4, vm0, $0xb8;
	[tilespmem:$0x18200] =	vst v63  }
0xc1: {  	s23 =	simm.s32 $0x10A00  }
0xc2: {  	[tilespmem:s23], [sflag:$0x4] =	stream.indirect_vreg.gather [hbm4b:s5+s4], $0x80, v4, vm0, $0xb8;
	[tilespmem:$0x18200] =	vst v63  }
0xc3: {  	s24 =	simm.s32 $0x11200  }
0xc4: {  	[tilespmem:s24], [sflag:$0x4] =	stream.indirect_vreg.gather [hbm4b:s2+s4], $0x80, v3, vm0, $0xb8;
	[tilespmem:$0x18200] =	vst v63  }
0xc5: {  	s25 =	simm.s32 $0x11A00  }
0xc6: {  	[tilespmem:s25], [sflag:$0x4] =	stream.indirect_vreg.gather [hbm4b:s5+s4], $0x80, v3, vm0, $0xb8;
	[tilespmem:$0x18200] =	vst v63  }
0xc7: {  	v3 =	vld [tilespmem:$0x50];
	_ =	sdelay $0x4  }
0xc8: {  	v13 =	vshll.u32 v3, $0x2  }
0xc9: {  	v3 =	vand.u32 $0x7, v3;
	v4 =	vand.u32 $0xFFFFFFE0, v13  }
0xca: {  	v3 =	vor.u32 v3, v4  }
0xcb: {  	v4 =	vperm.xlane v3, v0;
	_ =	sdelay $0x1  }
0xcc: {  	v4 =	vadd.s32 v1, v4;
	_ =	sdelay $0x1  }
0xcd: {  	v3 =	vperm.xlane v3, v2;
	_ =	sdelay $0x1  }
0xce: {  	s26 =	simm.s32 $0x12200;
	v3 =	vadd.s32 v1, v3  }
0xcf: {  	[tilespmem:s26], [sflag:$0x4] =	stream.indirect_vreg.gather [hbm4b:s2+s4], $0x80, v4, vm0, $0xb8;
	[tilespmem:$0x18200] =	vst v63  }
0xd0: {  	s28 =	simm.s32 $0x12A00  }
0xd1: {  	[tilespmem:s28], [sflag:$0x4] =	stream.indirect_vreg.gather [hbm4b:s5+s4], $0x80, v4, vm0, $0xb8;
	[tilespmem:$0x18200] =	vst v63  }
0xd2: {  	s29 =	simm.s32 $0x13200  }
0xd3: {  	[tilespmem:s29], [sflag:$0x4] =	stream.indirect_vreg.gather [hbm4b:s2+s4], $0x80, v3, vm0, $0xb8;
	[tilespmem:$0x18200] =	vst v63  }
0xd4: {  	s30 =	simm.s32 $0x13A00  }
0xd5: {  	[tilespmem:s30], [sflag:$0x4] =	stream.indirect_vreg.gather [hbm4b:s5+s4], $0x80, v3, vm0, $0xb8;
	[tilespmem:$0x18200] =	vst v63  }
0xd6: {  	v3 =	vld [tilespmem:$0x60];
	_ =	sdelay $0x4  }
0xd7: {  	v14 =	vshll.u32 v3, $0x2  }
0xd8: {  	v3 =	vand.u32 $0x7, v3;
	v4 =	vand.u32 $0xFFFFFFE0, v14  }
0xd9: {  	v3 =	vor.u32 v3, v4  }
0xda: {  	v4 =	vperm.xlane v3, v0;
	_ =	sdelay $0x1  }
0xdb: {  	v4 =	vadd.s32 v1, v4;
	_ =	sdelay $0x1  }
0xdc: {  	v3 =	vperm.xlane v3, v2;
	_ =	sdelay $0x1  }
0xdd: {  	s31 =	simm.s32 $0x14200;
	v3 =	vadd.s32 v1, v3  }
0xde: {  	[tilespmem:s31], [sflag:$0x4] =	stream.indirect_vreg.gather [hbm4b:s2+s4], $0x80, v4, vm0, $0xb8;
	[tilespmem:$0x18200] =	vst v63  }
0xdf: {  	s21 =	simm.s32 $0x14A00  }
0xe0: {  	[tilespmem:s21], [sflag:$0x4] =	stream.indirect_vreg.gather [hbm4b:s5+s4], $0x80, v4, vm0, $0xb8;
	[tilespmem:$0x18200] =	vst v63  }
0xe1: {  	s23 =	simm.s32 $0x15200  }
0xe2: {  	[tilespmem:s23], [sflag:$0x4] =	stream.indirect_vreg.gather [hbm4b:s2+s4], $0x80, v3, vm0, $0xb8;
	[tilespmem:$0x18200] =	vst v63  }
0xe3: {  	s24 =	simm.s32 $0x15A00  }
0xe4: {  	[tilespmem:s24], [sflag:$0x4] =	stream.indirect_vreg.gather [hbm4b:s5+s4], $0x80, v3, vm0, $0xb8;
	[tilespmem:$0x18200] =	vst v63  }
0xe5: {  	v3 =	vld [tilespmem:$0x70];
	_ =	sdelay $0x4  }
0xe6: {  	v15 =	vshll.u32 v3, $0x2  }
0xe7: {  	v3 =	vand.u32 $0x7, v3;
	v4 =	vand.u32 $0xFFFFFFE0, v15  }
0xe8: {  	v3 =	vor.u32 v3, v4  }
0xe9: {  	v4 =	vperm.xlane v3, v0;
	_ =	sdelay $0x1  }
0xea: {  	v4 =	vadd.s32 v1, v4;
	_ =	sdelay $0x1  }
0xeb: {  	v3 =	vperm.xlane v3, v2;
	_ =	sdelay $0x1  }
0xec: {  	s25 =	simm.s32 $0x16200;
	v3 =	vadd.s32 v1, v3  }
0xed: {  	[tilespmem:s25], [sflag:$0x4] =	stream.indirect_vreg.gather [hbm4b:s2+s4], $0x80, v4, vm0, $0xb8;
	[tilespmem:$0x18200] =	vst v63  }
0xee: {  	s26 =	simm.s32 $0x16A00  }
0xef: {  	[tilespmem:s26], [sflag:$0x4] =	stream.indirect_vreg.gather [hbm4b:s5+s4], $0x80, v4, vm0, $0xb8;
	[tilespmem:$0x18200] =	vst v63  }
0xf0: {  	s28 =	simm.s32 $0x17200  }
0xf1: {  	[tilespmem:s28], [sflag:$0x4] =	stream.indirect_vreg.gather [hbm4b:s2+s4], $0x80, v3, vm0, $0xb8;
	[tilespmem:$0x18200] =	vst v63  }
0xf2: {  	s29 =	simm.s32 $0x17A00  }
0xf3: {  	[tilespmem:s29], [sflag:$0x4] =	stream.indirect_vreg.gather [hbm4b:s5+s4], $0x80, v3, vm0, $0xb8;
	[tilespmem:$0x18200] =	vst v63  }
0xf4: {  	_ =	swait.ge [sflag:s10], $0x4000  }
0xf5: {  	[sflag:s10] =	ssyncset.done $0x0  }
0xf6: {  	s0 =	simm.s32 $0x200;
	s30 =	rddreg [dreg:$0x7];
	[sflag:s10] =	ssyncadd.s32 $0xFFFFC000  }
0xf7: {  	[hbm4b:s30+s4] =	stream.linear.scatter [tilespmem:s0], [sflag:$0x5], $0x4000, $0x38;
	[tilespmem:$0x18200] =	vst v63  }
0xf8: {  	_ =	swait.ge [sflag:s7], $0x4000  }
0xf9: {  	[sflag:s7] =	ssyncset.done $0x0  }
0xfa: {  	[sflag:s7] =	ssyncadd.s32 $0xFFFFC000  }
0xfb: {  	_ =	swait.ge [sflag:s11], $0x8000  }
0xfc: {  	[sflag:s11] =	ssyncset.done $0x0  }
0xfd: {  	s31 =	rddreg [dreg:$0x8];
	[sflag:s11] =	ssyncadd.s32 $0xFFFF8000  }
0xfe: {  	[hbm4b:s31+s4] =	stream.linear.scatter [tilespmem:s22], [sflag:$0x5], $0x8000, $0x38;
	[tilespmem:$0x18200] =	vst v63  }
0xff: {  	_ =	swait.ge [sflag:s7], $0x8000  }
0x100: {  	[sflag:s7] =	ssyncset.done $0x0  }
0x101: {  	[sflag:s7] =	ssyncadd.s32 $0xFFFF8000  }
0x102: {  	v3 =	vld [tilespmem:$0x80];
	_ =	sdelay $0x4  }
0x103: {  	v16 =	vshll.u32 v3, $0x1  }
0x104: {  	v3 =	vand.u32 $0x7, v3;
	v4 =	vand.u32 $0xFFFFFFF0, v16  }
0x105: {  	v3 =	vor.u32 v3, v4  }
0x106: {  	v4 =	vperm.xlane v3, v0;
	_ =	sdelay $0x1  }
0x107: {  	v3 =	vperm.xlane v3, v2;
	v4 =	vadd.s32 v1, v4;
	_ =	sdelay $0x1  }
0x108: {  	v3 =	vadd.s32 v1, v3;
	_ =	sdelay $0x2  }
0x109: {  	[tilespmem:s0], [sflag:$0x1] =	stream.indirect_vreg.gather [hbm4b:s1+s4], $0x80, v4, vm0, $0xb8;
	[tilespmem:$0x18200] =	vst v63  }
0x10a: {  	s8 =	simm.s32 $0xA00  }
0x10b: {  	[tilespmem:s8], [sflag:$0x1] =	stream.indirect_vreg.gather [hbm4b:s1+s4], $0x80, v3, vm0, $0xb8;
	[tilespmem:$0x18200] =	vst v63  }
0x10c: {  	v3 =	vld [tilespmem:$0x90];
	_ =	sdelay $0x4  }
0x10d: {  	v17 =	vshll.u32 v3, $0x1  }
0x10e: {  	v3 =	vand.u32 $0x7, v3;
	v4 =	vand.u32 $0xFFFFFFF0, v17  }
0x10f: {  	v3 =	vor.u32 v3, v4  }
0x110: {  	v4 =	vperm.xlane v3, v0;
	_ =	sdelay $0x1  }
0x111: {  	v3 =	vperm.xlane v3, v2;
	v4 =	vadd.s32 v1, v4;
	_ =	sdelay $0x1  }
0x112: {  	v3 =	vadd.s32 v1, v3;
	_ =	sdelay $0x1  }
0x113: {  	s8 =	simm.s32 $0x1200  }
0x114: {  	[tilespmem:s8], [sflag:$0x1] =	stream.indirect_vreg.gather [hbm4b:s1+s4], $0x80, v4, vm0, $0xb8;
	[tilespmem:$0x18200] =	vst v63  }
0x115: {  	s9 =	simm.s32 $0x1A00  }
0x116: {  	[tilespmem:s9], [sflag:$0x1] =	stream.indirect_vreg.gather [hbm4b:s1+s4], $0x80, v3, vm0, $0xb8;
	[tilespmem:$0x18200] =	vst v63  }
0x117: {  	v3 =	vld [tilespmem:$0xA0];
	_ =	sdelay $0x4  }
0x118: {  	v18 =	vshll.u32 v3, $0x1  }
0x119: {  	v3 =	vand.u32 $0x7, v3;
	v4 =	vand.u32 $0xFFFFFFF0, v18  }
0x11a: {  	v3 =	vor.u32 v3, v4  }
0x11b: {  	v4 =	vperm.xlane v3, v0;
	_ =	sdelay $0x1  }
0x11c: {  	v3 =	vperm.xlane v3, v2;
	v4 =	vadd.s32 v1, v4;
	_ =	sdelay $0x1  }
0x11d: {  	v3 =	vadd.s32 v1, v3;
	_ =	sdelay $0x1  }
0x11e: {  	s23 =	simm.s32 $0x2200  }
0x11f: {  	[tilespmem:s23], [sflag:$0x1] =	stream.indirect_vreg.gather [hbm4b:s1+s4], $0x80, v4, vm0, $0xb8;
	[tilespmem:$0x18200] =	vst v63  }
0x120: {  	s15 =	simm.s32 $0x2A00  }
0x121: {  	[tilespmem:s15], [sflag:$0x1] =	stream.indirect_vreg.gather [hbm4b:s1+s4], $0x80, v3, vm0, $0xb8;
	[tilespmem:$0x18200] =	vst v63  }
0x122: {  	v3 =	vld [tilespmem:$0xB0];
	_ =	sdelay $0x4  }
0x123: {  	v19 =	vshll.u32 v3, $0x1  }
0x124: {  	v3 =	vand.u32 $0x7, v3;
	v4 =	vand.u32 $0xFFFFFFF0, v19  }
0x125: {  	v3 =	vor.u32 v3, v4  }
0x126: {  	v4 =	vperm.xlane v3, v0;
	_ =	sdelay $0x1  }
0x127: {  	v3 =	vperm.xlane v3, v2;
	v4 =	vadd.s32 v1, v4;
	_ =	sdelay $0x1  }
0x128: {  	v3 =	vadd.s32 v1, v3;
	_ =	sdelay $0x1  }
0x129: {  	s24 =	simm.s32 $0x3200  }
0x12a: {  	[tilespmem:s24], [sflag:$0x1] =	stream.indirect_vreg.gather [hbm4b:s1+s4], $0x80, v4, vm0, $0xb8;
	[tilespmem:$0x18200] =	vst v63  }
0x12b: {  	s18 =	simm.s32 $0x3A00  }
0x12c: {  	[tilespmem:s18], [sflag:$0x1] =	stream.indirect_vreg.gather [hbm4b:s1+s4], $0x80, v3, vm0, $0xb8;
	[tilespmem:$0x18200] =	vst v63  }
0x12d: {  	v3 =	vld [tilespmem:$0x80];
	_ =	sdelay $0x4  }
0x12e: {  	v20 =	vshll.u32 v3, $0x2  }
0x12f: {  	v3 =	vand.u32 $0x7, v3;
	v4 =	vand.u32 $0xFFFFFFE0, v20  }
0x130: {  	v3 =	vor.u32 v3, v4  }
0x131: {  	v4 =	vperm.xlane v3, v0;
	_ =	sdelay $0x1  }
0x132: {  	v4 =	vadd.s32 v1, v4;
	_ =	sdelay $0x1  }
0x133: {  	v3 =	vperm.xlane v3, v2;
	_ =	sdelay $0x1  }
0x134: {  	v3 =	vadd.s32 v1, v3  }
0x135: {  	[tilespmem:s22], [sflag:$0x3] =	stream.indirect_vreg.gather [hbm4b:s2+s4], $0x80, v4, vm0, $0xb8;
	[tilespmem:$0x18200] =	vst v63  }
0x136: {  	s25 =	simm.s32 $0x8A00  }
0x137: {  	[tilespmem:s25], [sflag:$0x3] =	stream.indirect_vreg.gather [hbm4b:s5+s4], $0x80, v4, vm0, $0xb8;
	[tilespmem:$0x18200] =	vst v63  }
0x138: {  	s26 =	simm.s32 $0x9200  }
0x139: {  	[tilespmem:s26], [sflag:$0x3] =	stream.indirect_vreg.gather [hbm4b:s2+s4], $0x80, v3, vm0, $0xb8;
	[tilespmem:$0x18200] =	vst v63  }
0x13a: {  	s19 =	simm.s32 $0x9A00  }
0x13b: {  	[tilespmem:s19], [sflag:$0x3] =	stream.indirect_vreg.gather [hbm4b:s5+s4], $0x80, v3, vm0, $0xb8;
	[tilespmem:$0x18200] =	vst v63  }
0x13c: {  	v3 =	vld [tilespmem:$0x90];
	_ =	sdelay $0x4  }
0x13d: {  	v21 =	vshll.u32 v3, $0x2  }
0x13e: {  	v3 =	vand.u32 $0x7, v3;
	v4 =	vand.u32 $0xFFFFFFE0, v21  }
0x13f: {  	v3 =	vor.u32 v3, v4  }
0x140: {  	v4 =	vperm.xlane v3, v0;
	_ =	sdelay $0x1  }
0x141: {  	v4 =	vadd.s32 v1, v4;
	_ =	sdelay $0x1  }
0x142: {  	v3 =	vperm.xlane v3, v2;
	_ =	sdelay $0x1  }
0x143: {  	s28 =	simm.s32 $0xA200;
	v3 =	vadd.s32 v1, v3  }
0x144: {  	[tilespmem:s28], [sflag:$0x3] =	stream.indirect_vreg.gather [hbm4b:s2+s4], $0x80, v4, vm0, $0xb8;
	[tilespmem:$0x18200] =	vst v63  }
0x145: {  	s29 =	simm.s32 $0xAA00  }
0x146: {  	[tilespmem:s29], [sflag:$0x3] =	stream.indirect_vreg.gather [hbm4b:s5+s4], $0x80, v4, vm0, $0xb8;
	[tilespmem:$0x18200] =	vst v63  }
0x147: {  	s30 =	simm.s32 $0xB200  }
0x148: {  	[tilespmem:s30], [sflag:$0x3] =	stream.indirect_vreg.gather [hbm4b:s2+s4], $0x80, v3, vm0, $0xb8;
	[tilespmem:$0x18200] =	vst v63  }
0x149: {  	s20 =	simm.s32 $0xBA00  }
0x14a: {  	[tilespmem:s20], [sflag:$0x3] =	stream.indirect_vreg.gather [hbm4b:s5+s4], $0x80, v3, vm0, $0xb8;
	[tilespmem:$0x18200] =	vst v63  }
0x14b: {  	v3 =	vld [tilespmem:$0xA0];
	_ =	sdelay $0x4  }
0x14c: {  	v22 =	vshll.u32 v3, $0x2  }
0x14d: {  	v3 =	vand.u32 $0x7, v3;
	v4 =	vand.u32 $0xFFFFFFE0, v22  }
0x14e: {  	v3 =	vor.u32 v3, v4  }
0x14f: {  	v4 =	vperm.xlane v3, v0;
	_ =	sdelay $0x1  }
0x150: {  	v4 =	vadd.s32 v1, v4;
	_ =	sdelay $0x1  }
0x151: {  	v3 =	vperm.xlane v3, v2;
	_ =	sdelay $0x1  }
0x152: {  	s31 =	simm.s32 $0xC200;
	v3 =	vadd.s32 v1, v3  }
0x153: {  	[tilespmem:s31], [sflag:$0x3] =	stream.indirect_vreg.gather [hbm4b:s2+s4], $0x80, v4, vm0, $0xb8;
	[tilespmem:$0x18200] =	vst v63  }
0x154: {  	s9 =	simm.s32 $0xCA00  }
0x155: {  	[tilespmem:s9], [sflag:$0x3] =	stream.indirect_vreg.gather [hbm4b:s5+s4], $0x80, v4, vm0, $0xb8;
	[tilespmem:$0x18200] =	vst v63  }
0x156: {  	s15 =	simm.s32 $0xD200  }
0x157: {  	[tilespmem:s15], [sflag:$0x3] =	stream.indirect_vreg.gather [hbm4b:s2+s4], $0x80, v3, vm0, $0xb8;
	[tilespmem:$0x18200] =	vst v63  }
0x158: {  	s21 =	simm.s32 $0xDA00  }
0x159: {  	[tilespmem:s21], [sflag:$0x3] =	stream.indirect_vreg.gather [hbm4b:s5+s4], $0x80, v3, vm0, $0xb8;
	[tilespmem:$0x18200] =	vst v63  }
0x15a: {  	v3 =	vld [tilespmem:$0xB0];
	_ =	sdelay $0x4  }
0x15b: {  	v23 =	vshll.u32 v3, $0x2  }
0x15c: {  	v3 =	vand.u32 $0x7, v3;
	v4 =	vand.u32 $0xFFFFFFE0, v23  }
0x15d: {  	v3 =	vor.u32 v3, v4  }
0x15e: {  	v4 =	vperm.xlane v3, v0;
	_ =	sdelay $0x1  }
0x15f: {  	v4 =	vadd.s32 v1, v4;
	_ =	sdelay $0x1  }
0x160: {  	v3 =	vperm.xlane v3, v2;
	_ =	sdelay $0x1  }
0x161: {  	s18 =	simm.s32 $0xE200;
	v3 =	vadd.s32 v1, v3  }
0x162: {  	[tilespmem:s18], [sflag:$0x3] =	stream.indirect_vreg.gather [hbm4b:s2+s4], $0x80, v4, vm0, $0xb8;
	[tilespmem:$0x18200] =	vst v63  }
0x163: {  	s19 =	simm.s32 $0xEA00  }
0x164: {  	[tilespmem:s19], [sflag:$0x3] =	stream.indirect_vreg.gather [hbm4b:s5+s4], $0x80, v4, vm0, $0xb8;
	[tilespmem:$0x18200] =	vst v63  }
0x165: {  	s20 =	simm.s32 $0xF200  }
0x166: {  	[tilespmem:s20], [sflag:$0x3] =	stream.indirect_vreg.gather [hbm4b:s2+s4], $0x80, v3, vm0, $0xb8;
	[tilespmem:$0x18200] =	vst v63  }
0x167: {  	s3 =	simm.s32 $0xFA00  }
0x168: {  	[tilespmem:s3], [sflag:$0x3] =	stream.indirect_vreg.gather [hbm4b:s5+s4], $0x80, v3, vm0, $0xb8;
	[tilespmem:$0x18200] =	vst v63  }
0x169: {  	_ =	swait.ge [sflag:s12], $0x4000  }
0x16a: {  	[sflag:s12] =	ssyncset.done $0x0  }
0x16b: {  	s3 =	rddreg [dreg:$0x9];
	[sflag:s12] =	ssyncadd.s32 $0xFFFFC000  }
0x16c: {  	[hbm4b:s3+s4] =	stream.linear.scatter [tilespmem:s17], [sflag:$0x5], $0x4000, $0x38;
	[tilespmem:$0x18200] =	vst v63  }
0x16d: {  	_ =	swait.ge [sflag:s7], $0x4000  }
0x16e: {  	[sflag:s7] =	ssyncset.done $0x0  }
0x16f: {  	[sflag:s7] =	ssyncadd.s32 $0xFFFFC000  }
0x170: {  	_ =	swait.ge [sflag:s13], $0x8000  }
0x171: {  	[sflag:s13] =	ssyncset.done $0x0  }
0x172: {  	s3 =	rddreg [dreg:$0xa];
	[sflag:s13] =	ssyncadd.s32 $0xFFFF8000  }
0x173: {  	[hbm4b:s3+s4] =	stream.linear.scatter [tilespmem:s16], [sflag:$0x5], $0x8000, $0x38;
	[tilespmem:$0x18200] =	vst v63  }
0x174: {  	_ =	swait.ge [sflag:s7], $0x8000  }
0x175: {  	[sflag:s7] =	ssyncset.done $0x0  }
0x176: {  	[sflag:s7] =	ssyncadd.s32 $0xFFFF8000  }
0x177: {  	v3 =	vld [tilespmem:$0xC0];
	_ =	sdelay $0x4  }
0x178: {  	v24 =	vshll.u32 v3, $0x1  }
0x179: {  	v3 =	vand.u32 $0x7, v3;
	v4 =	vand.u32 $0xFFFFFFF0, v24  }
0x17a: {  	v3 =	vor.u32 v3, v4  }
0x17b: {  	v4 =	vperm.xlane v3, v0;
	_ =	sdelay $0x1  }
0x17c: {  	v3 =	vperm.xlane v3, v2;
	v4 =	vadd.s32 v1, v4;
	_ =	sdelay $0x1  }
0x17d: {  	v3 =	vadd.s32 v1, v3;
	_ =	sdelay $0x2  }
0x17e: {  	[tilespmem:s17], [sflag:$0x2] =	stream.indirect_vreg.gather [hbm4b:s1+s4], $0x80, v4, vm0, $0xb8;
	[tilespmem:$0x18200] =	vst v63  }
0x17f: {  	s14 =	simm.s32 $0x4A00  }
0x180: {  	[tilespmem:s14], [sflag:$0x2] =	stream.indirect_vreg.gather [hbm4b:s1+s4], $0x80, v3, vm0, $0xb8;
	[tilespmem:$0x18200] =	vst v63  }
0x181: {  	v3 =	vld [tilespmem:$0xD0];
	_ =	sdelay $0x4  }
0x182: {  	v25 =	vshll.u32 v3, $0x1  }
0x183: {  	v3 =	vand.u32 $0x7, v3;
	v4 =	vand.u32 $0xFFFFFFF0, v25  }
0x184: {  	v3 =	vor.u32 v3, v4  }
0x185: {  	v4 =	vperm.xlane v3, v0;
	_ =	sdelay $0x1  }
0x186: {  	v3 =	vperm.xlane v3, v2;
	v4 =	vadd.s32 v1, v4;
	_ =	sdelay $0x1  }
0x187: {  	v3 =	vadd.s32 v1, v3;
	_ =	sdelay $0x1  }
0x188: {  	s14 =	simm.s32 $0x5200  }
0x189: {  	[tilespmem:s14], [sflag:$0x2] =	stream.indirect_vreg.gather [hbm4b:s1+s4], $0x80, v4, vm0, $0xb8;
	[tilespmem:$0x18200] =	vst v63  }
0x18a: {  	s14 =	simm.s32 $0x5A00  }
0x18b: {  	[tilespmem:s14], [sflag:$0x2] =	stream.indirect_vreg.gather [hbm4b:s1+s4], $0x80, v3, vm0, $0xb8;
	[tilespmem:$0x18200] =	vst v63  }
0x18c: {  	v3 =	vld [tilespmem:$0xE0];
	_ =	sdelay $0x4  }
0x18d: {  	v26 =	vshll.u32 v3, $0x1  }
0x18e: {  	v3 =	vand.u32 $0x7, v3;
	v4 =	vand.u32 $0xFFFFFFF0, v26  }
0x18f: {  	v3 =	vor.u32 v3, v4  }
0x190: {  	v4 =	vperm.xlane v3, v0;
	_ =	sdelay $0x1  }
0x191: {  	v3 =	vperm.xlane v3, v2;
	v4 =	vadd.s32 v1, v4;
	_ =	sdelay $0x1  }
0x192: {  	v3 =	vadd.s32 v1, v3;
	_ =	sdelay $0x1  }
0x193: {  	s14 =	simm.s32 $0x6200  }
0x194: {  	[tilespmem:s14], [sflag:$0x2] =	stream.indirect_vreg.gather [hbm4b:s1+s4], $0x80, v4, vm0, $0xb8;
	[tilespmem:$0x18200] =	vst v63  }
0x195: {  	s14 =	simm.s32 $0x6A00  }
0x196: {  	[tilespmem:s14], [sflag:$0x2] =	stream.indirect_vreg.gather [hbm4b:s1+s4], $0x80, v3, vm0, $0xb8;
	[tilespmem:$0x18200] =	vst v63  }
0x197: {  	v3 =	vld [tilespmem:$0xF0];
	_ =	sdelay $0x4  }
0x198: {  	v27 =	vshll.u32 v3, $0x1  }
0x199: {  	v3 =	vand.u32 $0x7, v3;
	v4 =	vand.u32 $0xFFFFFFF0, v27  }
0x19a: {  	v3 =	vor.u32 v3, v4  }
0x19b: {  	v4 =	vperm.xlane v3, v0;
	_ =	sdelay $0x1  }
0x19c: {  	v3 =	vperm.xlane v3, v2;
	v4 =	vadd.s32 v1, v4;
	_ =	sdelay $0x1  }
0x19d: {  	v3 =	vadd.s32 v1, v3;
	_ =	sdelay $0x1  }
0x19e: {  	s14 =	simm.s32 $0x7200  }
0x19f: {  	[tilespmem:s14], [sflag:$0x2] =	stream.indirect_vreg.gather [hbm4b:s1+s4], $0x80, v4, vm0, $0xb8;
	[tilespmem:$0x18200] =	vst v63  }
0x1a0: {  	s14 =	simm.s32 $0x7A00  }
0x1a1: {  	[tilespmem:s14], [sflag:$0x2] =	stream.indirect_vreg.gather [hbm4b:s1+s4], $0x80, v3, vm0, $0xb8;
	[tilespmem:$0x18200] =	vst v63  }
0x1a2: {  	v3 =	vld [tilespmem:$0xC0];
	_ =	sdelay $0x4  }
0x1a3: {  	v28 =	vshll.u32 v3, $0x2  }
0x1a4: {  	v3 =	vand.u32 $0x7, v3;
	v4 =	vand.u32 $0xFFFFFFE0, v28  }
0x1a5: {  	v3 =	vor.u32 v3, v4  }
0x1a6: {  	v4 =	vperm.xlane v3, v0;
	_ =	sdelay $0x1  }
0x1a7: {  	v4 =	vadd.s32 v1, v4;
	_ =	sdelay $0x1  }
0x1a8: {  	v3 =	vperm.xlane v3, v2;
	_ =	sdelay $0x1  }
0x1a9: {  	v3 =	vadd.s32 v1, v3  }
0x1aa: {  	[tilespmem:s16], [sflag:$0x4] =	stream.indirect_vreg.gather [hbm4b:s2+s4], $0x80, v4, vm0, $0xb8;
	[tilespmem:$0x18200] =	vst v63  }
0x1ab: {  	s14 =	simm.s32 $0x10A00  }
0x1ac: {  	[tilespmem:s14], [sflag:$0x4] =	stream.indirect_vreg.gather [hbm4b:s5+s4], $0x80, v4, vm0, $0xb8;
	[tilespmem:$0x18200] =	vst v63  }
0x1ad: {  	s14 =	simm.s32 $0x11200  }
0x1ae: {  	[tilespmem:s14], [sflag:$0x4] =	stream.indirect_vreg.gather [hbm4b:s2+s4], $0x80, v3, vm0, $0xb8;
	[tilespmem:$0x18200] =	vst v63  }
0x1af: {  	s14 =	simm.s32 $0x11A00  }
0x1b0: {  	[tilespmem:s14], [sflag:$0x4] =	stream.indirect_vreg.gather [hbm4b:s5+s4], $0x80, v3, vm0, $0xb8;
	[tilespmem:$0x18200] =	vst v63  }
0x1b1: {  	v3 =	vld [tilespmem:$0xD0];
	_ =	sdelay $0x4  }
0x1b2: {  	v29 =	vshll.u32 v3, $0x2  }
0x1b3: {  	v3 =	vand.u32 $0x7, v3;
	v4 =	vand.u32 $0xFFFFFFE0, v29  }
0x1b4: {  	v3 =	vor.u32 v3, v4  }
0x1b5: {  	v4 =	vperm.xlane v3, v0;
	_ =	sdelay $0x1  }
0x1b6: {  	v4 =	vadd.s32 v1, v4;
	_ =	sdelay $0x1  }
0x1b7: {  	v3 =	vperm.xlane v3, v2;
	_ =	sdelay $0x1  }
0x1b8: {  	s14 =	simm.s32 $0x12200;
	v3 =	vadd.s32 v1, v3  }
0x1b9: {  	[tilespmem:s14], [sflag:$0x4] =	stream.indirect_vreg.gather [hbm4b:s2+s4], $0x80, v4, vm0, $0xb8;
	[tilespmem:$0x18200] =	vst v63  }
0x1ba: {  	s14 =	simm.s32 $0x12A00  }
0x1bb: {  	[tilespmem:s14], [sflag:$0x4] =	stream.indirect_vreg.gather [hbm4b:s5+s4], $0x80, v4, vm0, $0xb8;
	[tilespmem:$0x18200] =	vst v63  }
0x1bc: {  	s14 =	simm.s32 $0x13200  }
0x1bd: {  	[tilespmem:s14], [sflag:$0x4] =	stream.indirect_vreg.gather [hbm4b:s2+s4], $0x80, v3, vm0, $0xb8;
	[tilespmem:$0x18200] =	vst v63  }
0x1be: {  	s14 =	simm.s32 $0x13A00  }
0x1bf: {  	[tilespmem:s14], [sflag:$0x4] =	stream.indirect_vreg.gather [hbm4b:s5+s4], $0x80, v3, vm0, $0xb8;
	[tilespmem:$0x18200] =	vst v63  }
0x1c0: {  	v3 =	vld [tilespmem:$0xE0];
	_ =	sdelay $0x4  }
0x1c1: {  	v30 =	vshll.u32 v3, $0x2  }
0x1c2: {  	v3 =	vand.u32 $0x7, v3;
	v4 =	vand.u32 $0xFFFFFFE0, v30  }
0x1c3: {  	v3 =	vor.u32 v3, v4  }
0x1c4: {  	v4 =	vperm.xlane v3, v0;
	_ =	sdelay $0x1  }
0x1c5: {  	v4 =	vadd.s32 v1, v4;
	_ =	sdelay $0x1  }
0x1c6: {  	v3 =	vperm.xlane v3, v2;
	_ =	sdelay $0x1  }
0x1c7: {  	s14 =	simm.s32 $0x14200;
	v3 =	vadd.s32 v1, v3  }
0x1c8: {  	[tilespmem:s14], [sflag:$0x4] =	stream.indirect_vreg.gather [hbm4b:s2+s4], $0x80, v4, vm0, $0xb8;
	[tilespmem:$0x18200] =	vst v63  }
0x1c9: {  	s14 =	simm.s32 $0x14A00  }
0x1ca: {  	[tilespmem:s14], [sflag:$0x4] =	stream.indirect_vreg.gather [hbm4b:s5+s4], $0x80, v4, vm0, $0xb8;
	[tilespmem:$0x18200] =	vst v63  }
0x1cb: {  	s14 =	simm.s32 $0x15200  }
0x1cc: {  	[tilespmem:s14], [sflag:$0x4] =	stream.indirect_vreg.gather [hbm4b:s2+s4], $0x80, v3, vm0, $0xb8;
	[tilespmem:$0x18200] =	vst v63  }
0x1cd: {  	s14 =	simm.s32 $0x15A00  }
0x1ce: {  	[tilespmem:s14], [sflag:$0x4] =	stream.indirect_vreg.gather [hbm4b:s5+s4], $0x80, v3, vm0, $0xb8;
	[tilespmem:$0x18200] =	vst v63  }
0x1cf: {  	v3 =	vld [tilespmem:$0xF0];
	_ =	sdelay $0x4  }
0x1d0: {  	v31 =	vshll.u32 v3, $0x2  }
0x1d1: {  	v3 =	vand.u32 $0x7, v3;
	v4 =	vand.u32 $0xFFFFFFE0, v31  }
0x1d2: {  	v3 =	vor.u32 v3, v4  }
0x1d3: {  	v4 =	vperm.xlane v3, v0;
	_ =	sdelay $0x1  }
0x1d4: {  	v4 =	vadd.s32 v1, v4;
	_ =	sdelay $0x1  }
0x1d5: {  	v3 =	vperm.xlane v3, v2;
	_ =	sdelay $0x1  }
0x1d6: {  	s14 =	simm.s32 $0x16200;
	v3 =	vadd.s32 v1, v3  }
0x1d7: {  	[tilespmem:s14], [sflag:$0x4] =	stream.indirect_vreg.gather [hbm4b:s2+s4], $0x80, v4, vm0, $0xb8;
	[tilespmem:$0x18200] =	vst v63  }
0x1d8: {  	s14 =	simm.s32 $0x16A00  }
0x1d9: {  	[tilespmem:s14], [sflag:$0x4] =	stream.indirect_vreg.gather [hbm4b:s5+s4], $0x80, v4, vm0, $0xb8;
	[tilespmem:$0x18200] =	vst v63  }
0x1da: {  	s14 =	simm.s32 $0x17200  }
0x1db: {  	[tilespmem:s14], [sflag:$0x4] =	stream.indirect_vreg.gather [hbm4b:s2+s4], $0x80, v3, vm0, $0xb8;
	[tilespmem:$0x18200] =	vst v63  }
0x1dc: {  	s14 =	simm.s32 $0x17A00  }
0x1dd: {  	[tilespmem:s14], [sflag:$0x4] =	stream.indirect_vreg.gather [hbm4b:s5+s4], $0x80, v3, vm0, $0xb8;
	[tilespmem:$0x18200] =	vst v63  }
0x1de: {  	_ =	swait.ge [sflag:s10], $0x4000  }
0x1df: {  	[sflag:s10] =	ssyncset.done $0x0  }
0x1e0: {  	s3 =	rddreg [dreg:$0xb];
	[sflag:s10] =	ssyncadd.s32 $0xFFFFC000  }
0x1e1: {  	[hbm4b:s3+s4] =	stream.linear.scatter [tilespmem:s0], [sflag:$0x5], $0x4000, $0x38;
	[tilespmem:$0x18200] =	vst v63  }
0x1e2: {  	_ =	swait.ge [sflag:s7], $0x4000  }
0x1e3: {  	[sflag:s7] =	ssyncset.done $0x0  }
0x1e4: {  	[sflag:s7] =	ssyncadd.s32 $0xFFFFC000  }
0x1e5: {  	_ =	swait.ge [sflag:s11], $0x8000  }
0x1e6: {  	[sflag:s11] =	ssyncset.done $0x0  }
0x1e7: {  	s3 =	rddreg [dreg:$0xc];
	[sflag:s11] =	ssyncadd.s32 $0xFFFF8000  }
0x1e8: {  	[hbm4b:s3+s4] =	stream.linear.scatter [tilespmem:s22], [sflag:$0x5], $0x8000, $0x38;
	[tilespmem:$0x18200] =	vst v63  }
0x1e9: {  	_ =	swait.ge [sflag:s7], $0x8000  }
0x1ea: {  	[sflag:s7] =	ssyncset.done $0x0  }
0x1eb: {  	[sflag:s7] =	ssyncadd.s32 $0xFFFF8000  }
0x1ec: {  	v3 =	vld [tilespmem:$0x100];
	_ =	sdelay $0x4  }
0x1ed: {  	v32 =	vshll.u32 v3, $0x1  }
0x1ee: {  	v3 =	vand.u32 $0x7, v3;
	v4 =	vand.u32 $0xFFFFFFF0, v32  }
0x1ef: {  	v3 =	vor.u32 v3, v4  }
0x1f0: {  	v4 =	vperm.xlane v3, v0;
	_ =	sdelay $0x1  }
0x1f1: {  	v3 =	vperm.xlane v3, v2;
	v4 =	vadd.s32 v1, v4;
	_ =	sdelay $0x1  }
0x1f2: {  	v3 =	vadd.s32 v1, v3;
	_ =	sdelay $0x2  }
0x1f3: {  	[tilespmem:s0], [sflag:$0x1] =	stream.indirect_vreg.gather [hbm4b:s1+s4], $0x80, v4, vm0, $0xb8;
	[tilespmem:$0x18200] =	vst v63  }
0x1f4: {  	s14 =	simm.s32 $0xA00  }
0x1f5: {  	[tilespmem:s14], [sflag:$0x1] =	stream.indirect_vreg.gather [hbm4b:s1+s4], $0x80, v3, vm0, $0xb8;
	[tilespmem:$0x18200] =	vst v63  }
0x1f6: {  	v3 =	vld [tilespmem:$0x110];
	_ =	sdelay $0x4  }
0x1f7: {  	v33 =	vshll.u32 v3, $0x1  }
0x1f8: {  	v3 =	vand.u32 $0x7, v3;
	v4 =	vand.u32 $0xFFFFFFF0, v33  }
0x1f9: {  	v3 =	vor.u32 v3, v4  }
0x1fa: {  	v4 =	vperm.xlane v3, v0;
	_ =	sdelay $0x1  }
0x1fb: {  	v3 =	vperm.xlane v3, v2;
	v4 =	vadd.s32 v1, v4;
	_ =	sdelay $0x1  }
0x1fc: {  	v3 =	vadd.s32 v1, v3;
	_ =	sdelay $0x2  }
0x1fd: {  	[tilespmem:s8], [sflag:$0x1] =	stream.indirect_vreg.gather [hbm4b:s1+s4], $0x80, v4, vm0, $0xb8;
	[tilespmem:$0x18200] =	vst v63  }
0x1fe: {  	s0 =	simm.s32 $0x1A00  }
0x1ff: {  	[tilespmem:s0], [sflag:$0x1] =	stream.indirect_vreg.gather [hbm4b:s1+s4], $0x80, v3, vm0, $0xb8;
	[tilespmem:$0x18200] =	vst v63  }
0x200: {  	v3 =	vld [tilespmem:$0x120];
	_ =	sdelay $0x4  }
0x201: {  	v34 =	vshll.u32 v3, $0x1  }
0x202: {  	v3 =	vand.u32 $0x7, v3;
	v4 =	vand.u32 $0xFFFFFFF0, v34  }
0x203: {  	v3 =	vor.u32 v3, v4  }
0x204: {  	v4 =	vperm.xlane v3, v0;
	_ =	sdelay $0x1  }
0x205: {  	v3 =	vperm.xlane v3, v2;
	v4 =	vadd.s32 v1, v4;
	_ =	sdelay $0x1  }
0x206: {  	v3 =	vadd.s32 v1, v3;
	_ =	sdelay $0x2  }
0x207: {  	[tilespmem:s23], [sflag:$0x1] =	stream.indirect_vreg.gather [hbm4b:s1+s4], $0x80, v4, vm0, $0xb8;
	[tilespmem:$0x18200] =	vst v63  }
0x208: {  	s23 =	simm.s32 $0x2A00  }
0x209: {  	[tilespmem:s23], [sflag:$0x1] =	stream.indirect_vreg.gather [hbm4b:s1+s4], $0x80, v3, vm0, $0xb8;
	[tilespmem:$0x18200] =	vst v63  }
0x20a: {  	v3 =	vld [tilespmem:$0x130];
	_ =	sdelay $0x4  }
0x20b: {  	v35 =	vshll.u32 v3, $0x1  }
0x20c: {  	v3 =	vand.u32 $0x7, v3;
	v4 =	vand.u32 $0xFFFFFFF0, v35  }
0x20d: {  	v3 =	vor.u32 v3, v4  }
0x20e: {  	v4 =	vperm.xlane v3, v0;
	_ =	sdelay $0x1  }
0x20f: {  	v3 =	vperm.xlane v3, v2;
	v4 =	vadd.s32 v1, v4;
	_ =	sdelay $0x1  }
0x210: {  	v3 =	vadd.s32 v1, v3;
	_ =	sdelay $0x2  }
0x211: {  	[tilespmem:s24], [sflag:$0x1] =	stream.indirect_vreg.gather [hbm4b:s1+s4], $0x80, v4, vm0, $0xb8;
	[tilespmem:$0x18200] =	vst v63  }
0x212: {  	s24 =	simm.s32 $0x3A00  }
0x213: {  	[tilespmem:s24], [sflag:$0x1] =	stream.indirect_vreg.gather [hbm4b:s1+s4], $0x80, v3, vm0, $0xb8;
	[tilespmem:$0x18200] =	vst v63  }
0x214: {  	v3 =	vld [tilespmem:$0x100];
	_ =	sdelay $0x4  }
0x215: {  	v36 =	vshll.u32 v3, $0x2  }
0x216: {  	v3 =	vand.u32 $0x7, v3;
	v4 =	vand.u32 $0xFFFFFFE0, v36  }
0x217: {  	v3 =	vor.u32 v3, v4  }
0x218: {  	v4 =	vperm.xlane v3, v0;
	_ =	sdelay $0x1  }
0x219: {  	v4 =	vadd.s32 v1, v4;
	_ =	sdelay $0x1  }
0x21a: {  	v3 =	vperm.xlane v3, v2;
	_ =	sdelay $0x1  }
0x21b: {  	v3 =	vadd.s32 v1, v3  }
0x21c: {  	[tilespmem:s22], [sflag:$0x3] =	stream.indirect_vreg.gather [hbm4b:s2+s4], $0x80, v4, vm0, $0xb8;
	[tilespmem:$0x18200] =	vst v63  }
0x21d: {  	_ = 	snop  }
0x21e: {  	[tilespmem:s25], [sflag:$0x3] =	stream.indirect_vreg.gather [hbm4b:s5+s4], $0x80, v4, vm0, $0xb8;
	[tilespmem:$0x18200] =	vst v63  }
0x21f: {  	_ = 	snop  }
0x220: {  	[tilespmem:s26], [sflag:$0x3] =	stream.indirect_vreg.gather [hbm4b:s2+s4], $0x80, v3, vm0, $0xb8;
	[tilespmem:$0x18200] =	vst v63  }
0x221: {  	s26 =	simm.s32 $0x9A00  }
0x222: {  	[tilespmem:s26], [sflag:$0x3] =	stream.indirect_vreg.gather [hbm4b:s5+s4], $0x80, v3, vm0, $0xb8;
	[tilespmem:$0x18200] =	vst v63  }
0x223: {  	v3 =	vld [tilespmem:$0x110];
	_ =	sdelay $0x4  }
0x224: {  	v37 =	vshll.u32 v3, $0x2  }
0x225: {  	v3 =	vand.u32 $0x7, v3;
	v4 =	vand.u32 $0xFFFFFFE0, v37  }
0x226: {  	v3 =	vor.u32 v3, v4  }
0x227: {  	v4 =	vperm.xlane v3, v0;
	_ =	sdelay $0x1  }
0x228: {  	v4 =	vadd.s32 v1, v4;
	_ =	sdelay $0x1  }
0x229: {  	v3 =	vperm.xlane v3, v2;
	_ =	sdelay $0x1  }
0x22a: {  	v3 =	vadd.s32 v1, v3  }
0x22b: {  	[tilespmem:s28], [sflag:$0x3] =	stream.indirect_vreg.gather [hbm4b:s2+s4], $0x80, v4, vm0, $0xb8;
	[tilespmem:$0x18200] =	vst v63  }
0x22c: {  	_ = 	snop  }
0x22d: {  	[tilespmem:s29], [sflag:$0x3] =	stream.indirect_vreg.gather [hbm4b:s5+s4], $0x80, v4, vm0, $0xb8;
	[tilespmem:$0x18200] =	vst v63  }
0x22e: {  	_ = 	snop  }
0x22f: {  	[tilespmem:s30], [sflag:$0x3] =	stream.indirect_vreg.gather [hbm4b:s2+s4], $0x80, v3, vm0, $0xb8;
	[tilespmem:$0x18200] =	vst v63  }
0x230: {  	s30 =	simm.s32 $0xBA00  }
0x231: {  	[tilespmem:s30], [sflag:$0x3] =	stream.indirect_vreg.gather [hbm4b:s5+s4], $0x80, v3, vm0, $0xb8;
	[tilespmem:$0x18200] =	vst v63  }
0x232: {  	v3 =	vld [tilespmem:$0x120];
	_ =	sdelay $0x4  }
0x233: {  	v38 =	vshll.u32 v3, $0x2  }
0x234: {  	v3 =	vand.u32 $0x7, v3;
	v4 =	vand.u32 $0xFFFFFFE0, v38  }
0x235: {  	v3 =	vor.u32 v3, v4  }
0x236: {  	v4 =	vperm.xlane v3, v0;
	_ =	sdelay $0x1  }
0x237: {  	v4 =	vadd.s32 v1, v4;
	_ =	sdelay $0x1  }
0x238: {  	v3 =	vperm.xlane v3, v2;
	_ =	sdelay $0x1  }
0x239: {  	v3 =	vadd.s32 v1, v3  }
0x23a: {  	[tilespmem:s31], [sflag:$0x3] =	stream.indirect_vreg.gather [hbm4b:s2+s4], $0x80, v4, vm0, $0xb8;
	[tilespmem:$0x18200] =	vst v63  }
0x23b: {  	_ = 	snop  }
0x23c: {  	[tilespmem:s9], [sflag:$0x3] =	stream.indirect_vreg.gather [hbm4b:s5+s4], $0x80, v4, vm0, $0xb8;
	[tilespmem:$0x18200] =	vst v63  }
0x23d: {  	_ = 	snop  }
0x23e: {  	[tilespmem:s15], [sflag:$0x3] =	stream.indirect_vreg.gather [hbm4b:s2+s4], $0x80, v3, vm0, $0xb8;
	[tilespmem:$0x18200] =	vst v63  }
0x23f: {  	_ = 	snop  }
0x240: {  	[tilespmem:s21], [sflag:$0x3] =	stream.indirect_vreg.gather [hbm4b:s5+s4], $0x80, v3, vm0, $0xb8;
	[tilespmem:$0x18200] =	vst v63  }
0x241: {  	v3 =	vld [tilespmem:$0x130];
	_ =	sdelay $0x4  }
0x242: {  	v39 =	vshll.u32 v3, $0x2  }
0x243: {  	v3 =	vand.u32 $0x7, v3;
	v4 =	vand.u32 $0xFFFFFFE0, v39  }
0x244: {  	v3 =	vor.u32 v3, v4  }
0x245: {  	v4 =	vperm.xlane v3, v0;
	_ =	sdelay $0x1  }
0x246: {  	v4 =	vadd.s32 v1, v4;
	_ =	sdelay $0x1  }
0x247: {  	v3 =	vperm.xlane v3, v2;
	_ =	sdelay $0x1  }
0x248: {  	v3 =	vadd.s32 v1, v3  }
0x249: {  	[tilespmem:s18], [sflag:$0x3] =	stream.indirect_vreg.gather [hbm4b:s2+s4], $0x80, v4, vm0, $0xb8;
	[tilespmem:$0x18200] =	vst v63  }
0x24a: {  	_ = 	snop  }
0x24b: {  	[tilespmem:s19], [sflag:$0x3] =	stream.indirect_vreg.gather [hbm4b:s5+s4], $0x80, v4, vm0, $0xb8;
	[tilespmem:$0x18200] =	vst v63  }
0x24c: {  	_ = 	snop  }
0x24d: {  	[tilespmem:s20], [sflag:$0x3] =	stream.indirect_vreg.gather [hbm4b:s2+s4], $0x80, v3, vm0, $0xb8;
	[tilespmem:$0x18200] =	vst v63  }
0x24e: {  	s31 =	simm.s32 $0xFA00  }
0x24f: {  	[tilespmem:s31], [sflag:$0x3] =	stream.indirect_vreg.gather [hbm4b:s5+s4], $0x80, v3, vm0, $0xb8;
	[tilespmem:$0x18200] =	vst v63  }
0x250: {  	_ =	swait.ge [sflag:s12], $0x4000  }
0x251: {  	[sflag:s12] =	ssyncset.done $0x0  }
0x252: {  	s3 =	rddreg [dreg:$0xd];
	[sflag:s12] =	ssyncadd.s32 $0xFFFFC000  }
0x253: {  	[hbm4b:s3+s4] =	stream.linear.scatter [tilespmem:s17], [sflag:$0x5], $0x4000, $0x38;
	[tilespmem:$0x18200] =	vst v63  }
0x254: {  	_ =	swait.ge [sflag:s7], $0x4000  }
0x255: {  	[sflag:s7] =	ssyncset.done $0x0  }
0x256: {  	[sflag:s7] =	ssyncadd.s32 $0xFFFFC000  }
0x257: {  	_ =	swait.ge [sflag:s13], $0x8000  }
0x258: {  	[sflag:s13] =	ssyncset.done $0x0  }
0x259: {  	s31 =	rddreg [dreg:$0xe];
	[sflag:s13] =	ssyncadd.s32 $0xFFFF8000  }
0x25a: {  	[hbm4b:s31+s4] =	stream.linear.scatter [tilespmem:s16], [sflag:$0x5], $0x8000, $0x38;
	[tilespmem:$0x18200] =	vst v63  }
0x25b: {  	_ =	swait.ge [sflag:s7], $0x8000  }
0x25c: {  	[sflag:s7] =	ssyncset.done $0x0  }
0x25d: {  	[sflag:s7] =	ssyncadd.s32 $0xFFFF8000  }
0x25e: {  	v3 =	vld [tilespmem:$0x140];
	_ =	sdelay $0x4  }
0x25f: {  	v40 =	vshll.u32 v3, $0x1  }
0x260: {  	v3 =	vand.u32 $0x7, v3;
	v4 =	vand.u32 $0xFFFFFFF0, v40  }
0x261: {  	v3 =	vor.u32 v3, v4  }
0x262: {  	v4 =	vperm.xlane v3, v0;
	_ =	sdelay $0x1  }
0x263: {  	v3 =	vperm.xlane v3, v2;
	v4 =	vadd.s32 v1, v4;
	_ =	sdelay $0x1  }
0x264: {  	v3 =	vadd.s32 v1, v3;
	_ =	sdelay $0x2  }
0x265: {  	[tilespmem:s17], [sflag:$0x2] =	stream.indirect_vreg.gather [hbm4b:s1+s4], $0x80, v4, vm0, $0xb8;
	[tilespmem:$0x18200] =	vst v63  }
0x266: {  	s3 =	simm.s32 $0x4A00  }
0x267: {  	[tilespmem:s3], [sflag:$0x2] =	stream.indirect_vreg.gather [hbm4b:s1+s4], $0x80, v3, vm0, $0xb8;
	[tilespmem:$0x18200] =	vst v63  }
0x268: {  	v3 =	vld [tilespmem:$0x150];
	_ =	sdelay $0x4  }
0x269: {  	v41 =	vshll.u32 v3, $0x1  }
0x26a: {  	v3 =	vand.u32 $0x7, v3;
	v4 =	vand.u32 $0xFFFFFFF0, v41  }
0x26b: {  	v3 =	vor.u32 v3, v4  }
0x26c: {  	v4 =	vperm.xlane v3, v0;
	_ =	sdelay $0x1  }
0x26d: {  	v3 =	vperm.xlane v3, v2;
	v4 =	vadd.s32 v1, v4;
	_ =	sdelay $0x1  }
0x26e: {  	v3 =	vadd.s32 v1, v3;
	_ =	sdelay $0x1  }
0x26f: {  	s31 =	simm.s32 $0x5200  }
0x270: {  	[tilespmem:s31], [sflag:$0x2] =	stream.indirect_vreg.gather [hbm4b:s1+s4], $0x80, v4, vm0, $0xb8;
	[tilespmem:$0x18200] =	vst v63  }
0x271: {  	s3 =	simm.s32 $0x5A00  }
0x272: {  	[tilespmem:s3], [sflag:$0x2] =	stream.indirect_vreg.gather [hbm4b:s1+s4], $0x80, v3, vm0, $0xb8;
	[tilespmem:$0x18200] =	vst v63  }
0x273: {  	v3 =	vld [tilespmem:$0x160];
	_ =	sdelay $0x4  }
0x274: {  	v42 =	vshll.u32 v3, $0x1  }
0x275: {  	v3 =	vand.u32 $0x7, v3;
	v4 =	vand.u32 $0xFFFFFFF0, v42  }
0x276: {  	v3 =	vor.u32 v3, v4  }
0x277: {  	v4 =	vperm.xlane v3, v0;
	_ =	sdelay $0x1  }
0x278: {  	v3 =	vperm.xlane v3, v2;
	v4 =	vadd.s32 v1, v4;
	_ =	sdelay $0x1  }
0x279: {  	v3 =	vadd.s32 v1, v3;
	_ =	sdelay $0x1  }
0x27a: {  	s3 =	simm.s32 $0x6200  }
0x27b: {  	[tilespmem:s3], [sflag:$0x2] =	stream.indirect_vreg.gather [hbm4b:s1+s4], $0x80, v4, vm0, $0xb8;
	[tilespmem:$0x18200] =	vst v63  }
0x27c: {  	s3 =	simm.s32 $0x6A00  }
0x27d: {  	[tilespmem:s3], [sflag:$0x2] =	stream.indirect_vreg.gather [hbm4b:s1+s4], $0x80, v3, vm0, $0xb8;
	[tilespmem:$0x18200] =	vst v63  }
0x27e: {  	v3 =	vld [tilespmem:$0x170];
	_ =	sdelay $0x4  }
0x27f: {  	v43 =	vshll.u32 v3, $0x1  }
0x280: {  	v3 =	vand.u32 $0x7, v3;
	v4 =	vand.u32 $0xFFFFFFF0, v43  }
0x281: {  	v3 =	vor.u32 v3, v4  }
0x282: {  	v4 =	vperm.xlane v3, v0;
	_ =	sdelay $0x1  }
0x283: {  	v3 =	vperm.xlane v3, v2;
	v4 =	vadd.s32 v1, v4;
	_ =	sdelay $0x1  }
0x284: {  	v3 =	vadd.s32 v1, v3;
	_ =	sdelay $0x1  }
0x285: {  	s3 =	simm.s32 $0x7200  }
0x286: {  	[tilespmem:s3], [sflag:$0x2] =	stream.indirect_vreg.gather [hbm4b:s1+s4], $0x80, v4, vm0, $0xb8;
	[tilespmem:$0x18200] =	vst v63  }
0x287: {  	s3 =	simm.s32 $0x7A00  }
0x288: {  	[tilespmem:s3], [sflag:$0x2] =	stream.indirect_vreg.gather [hbm4b:s1+s4], $0x80, v3, vm0, $0xb8;
	[tilespmem:$0x18200] =	vst v63  }
0x289: {  	v3 =	vld [tilespmem:$0x140];
	_ =	sdelay $0x4  }
0x28a: {  	v44 =	vshll.u32 v3, $0x2  }
0x28b: {  	v3 =	vand.u32 $0x7, v3;
	v4 =	vand.u32 $0xFFFFFFE0, v44  }
0x28c: {  	v3 =	vor.u32 v3, v4  }
0x28d: {  	v4 =	vperm.xlane v3, v0;
	_ =	sdelay $0x1  }
0x28e: {  	v4 =	vadd.s32 v1, v4;
	_ =	sdelay $0x1  }
0x28f: {  	v3 =	vperm.xlane v3, v2;
	_ =	sdelay $0x1  }
0x290: {  	v3 =	vadd.s32 v1, v3  }
0x291: {  	[tilespmem:s16], [sflag:$0x4] =	stream.indirect_vreg.gather [hbm4b:s2+s4], $0x80, v4, vm0, $0xb8;
	[tilespmem:$0x18200] =	vst v63  }
0x292: {  	s3 =	simm.s32 $0x10A00  }
0x293: {  	[tilespmem:s3], [sflag:$0x4] =	stream.indirect_vreg.gather [hbm4b:s5+s4], $0x80, v4, vm0, $0xb8;
	[tilespmem:$0x18200] =	vst v63  }
0x294: {  	s3 =	simm.s32 $0x11200  }
0x295: {  	[tilespmem:s3], [sflag:$0x4] =	stream.indirect_vreg.gather [hbm4b:s2+s4], $0x80, v3, vm0, $0xb8;
	[tilespmem:$0x18200] =	vst v63  }
0x296: {  	s3 =	simm.s32 $0x11A00  }
0x297: {  	[tilespmem:s3], [sflag:$0x4] =	stream.indirect_vreg.gather [hbm4b:s5+s4], $0x80, v3, vm0, $0xb8;
	[tilespmem:$0x18200] =	vst v63  }
0x298: {  	v3 =	vld [tilespmem:$0x150];
	_ =	sdelay $0x4  }
0x299: {  	v45 =	vshll.u32 v3, $0x2  }
0x29a: {  	v3 =	vand.u32 $0x7, v3;
	v4 =	vand.u32 $0xFFFFFFE0, v45  }
0x29b: {  	v3 =	vor.u32 v3, v4  }
0x29c: {  	v4 =	vperm.xlane v3, v0;
	_ =	sdelay $0x1  }
0x29d: {  	v4 =	vadd.s32 v1, v4;
	_ =	sdelay $0x1  }
0x29e: {  	v3 =	vperm.xlane v3, v2;
	_ =	sdelay $0x1  }
0x29f: {  	s3 =	simm.s32 $0x12200;
	v3 =	vadd.s32 v1, v3  }
0x2a0: {  	[tilespmem:s3], [sflag:$0x4] =	stream.indirect_vreg.gather [hbm4b:s2+s4], $0x80, v4, vm0, $0xb8;
	[tilespmem:$0x18200] =	vst v63  }
0x2a1: {  	s3 =	simm.s32 $0x12A00  }
0x2a2: {  	[tilespmem:s3], [sflag:$0x4] =	stream.indirect_vreg.gather [hbm4b:s5+s4], $0x80, v4, vm0, $0xb8;
	[tilespmem:$0x18200] =	vst v63  }
0x2a3: {  	s3 =	simm.s32 $0x13200  }
0x2a4: {  	[tilespmem:s3], [sflag:$0x4] =	stream.indirect_vreg.gather [hbm4b:s2+s4], $0x80, v3, vm0, $0xb8;
	[tilespmem:$0x18200] =	vst v63  }
0x2a5: {  	s3 =	simm.s32 $0x13A00  }
0x2a6: {  	[tilespmem:s3], [sflag:$0x4] =	stream.indirect_vreg.gather [hbm4b:s5+s4], $0x80, v3, vm0, $0xb8;
	[tilespmem:$0x18200] =	vst v63  }
0x2a7: {  	v3 =	vld [tilespmem:$0x160];
	_ =	sdelay $0x4  }
0x2a8: {  	v46 =	vshll.u32 v3, $0x2  }
0x2a9: {  	v3 =	vand.u32 $0x7, v3;
	v4 =	vand.u32 $0xFFFFFFE0, v46  }
0x2aa: {  	v3 =	vor.u32 v3, v4  }
0x2ab: {  	v4 =	vperm.xlane v3, v0;
	_ =	sdelay $0x1  }
0x2ac: {  	v4 =	vadd.s32 v1, v4;
	_ =	sdelay $0x1  }
0x2ad: {  	v3 =	vperm.xlane v3, v2;
	_ =	sdelay $0x1  }
0x2ae: {  	s3 =	simm.s32 $0x14200;
	v3 =	vadd.s32 v1, v3  }
0x2af: {  	[tilespmem:s3], [sflag:$0x4] =	stream.indirect_vreg.gather [hbm4b:s2+s4], $0x80, v4, vm0, $0xb8;
	[tilespmem:$0x18200] =	vst v63  }
0x2b0: {  	s3 =	simm.s32 $0x14A00  }
0x2b1: {  	[tilespmem:s3], [sflag:$0x4] =	stream.indirect_vreg.gather [hbm4b:s5+s4], $0x80, v4, vm0, $0xb8;
	[tilespmem:$0x18200] =	vst v63  }
0x2b2: {  	s3 =	simm.s32 $0x15200  }
0x2b3: {  	[tilespmem:s3], [sflag:$0x4] =	stream.indirect_vreg.gather [hbm4b:s2+s4], $0x80, v3, vm0, $0xb8;
	[tilespmem:$0x18200] =	vst v63  }
0x2b4: {  	s3 =	simm.s32 $0x15A00  }
0x2b5: {  	[tilespmem:s3], [sflag:$0x4] =	stream.indirect_vreg.gather [hbm4b:s5+s4], $0x80, v3, vm0, $0xb8;
	[tilespmem:$0x18200] =	vst v63  }
0x2b6: {  	v3 =	vld [tilespmem:$0x170];
	_ =	sdelay $0x4  }
0x2b7: {  	v47 =	vshll.u32 v3, $0x2  }
0x2b8: {  	v3 =	vand.u32 $0x7, v3;
	v4 =	vand.u32 $0xFFFFFFE0, v47  }
0x2b9: {  	v3 =	vor.u32 v3, v4  }
0x2ba: {  	v4 =	vperm.xlane v3, v0;
	_ =	sdelay $0x1  }
0x2bb: {  	v4 =	vadd.s32 v1, v4;
	_ =	sdelay $0x1  }
0x2bc: {  	v3 =	vperm.xlane v3, v2;
	_ =	sdelay $0x1  }
0x2bd: {  	s3 =	simm.s32 $0x16200;
	v3 =	vadd.s32 v1, v3  }
0x2be: {  	[tilespmem:s3], [sflag:$0x4] =	stream.indirect_vreg.gather [hbm4b:s2+s4], $0x80, v4, vm0, $0xb8;
	[tilespmem:$0x18200] =	vst v63  }
0x2bf: {  	s3 =	simm.s32 $0x16A00  }
0x2c0: {  	[tilespmem:s3], [sflag:$0x4] =	stream.indirect_vreg.gather [hbm4b:s5+s4], $0x80, v4, vm0, $0xb8;
	[tilespmem:$0x18200] =	vst v63  }
0x2c1: {  	s3 =	simm.s32 $0x17200  }
0x2c2: {  	[tilespmem:s3], [sflag:$0x4] =	stream.indirect_vreg.gather [hbm4b:s2+s4], $0x80, v3, vm0, $0xb8;
	[tilespmem:$0x18200] =	vst v63  }
0x2c3: {  	s3 =	simm.s32 $0x17A00  }
0x2c4: {  	[tilespmem:s3], [sflag:$0x4] =	stream.indirect_vreg.gather [hbm4b:s5+s4], $0x80, v3, vm0, $0xb8;
	[tilespmem:$0x18200] =	vst v63  }
0x2c5: {  	_ =	swait.ge [sflag:s10], $0x4000  }
0x2c6: {  	[sflag:s10] =	ssyncset.done $0x0  }
0x2c7: {  	s3 =	simm.s32 $0x200;
	s14 =	rddreg [dreg:$0xf];
	[sflag:s10] =	ssyncadd.s32 $0xFFFFC000  }
0x2c8: {  	[hbm4b:s14+s4] =	stream.linear.scatter [tilespmem:s3], [sflag:$0x5], $0x4000, $0x38;
	[tilespmem:$0x18200] =	vst v63  }
0x2c9: {  	_ =	swait.ge [sflag:s7], $0x4000  }
0x2ca: {  	[sflag:s7] =	ssyncset.done $0x0  }
0x2cb: {  	[sflag:s7] =	ssyncadd.s32 $0xFFFFC000  }
0x2cc: {  	_ =	swait.ge [sflag:s11], $0x8000  }
0x2cd: {  	[sflag:s11] =	ssyncset.done $0x0  }
0x2ce: {  	s14 =	rddreg [dreg:$0x10];
	[sflag:s11] =	ssyncadd.s32 $0xFFFF8000  }
0x2cf: {  	[hbm4b:s14+s4] =	stream.linear.scatter [tilespmem:s22], [sflag:$0x5], $0x8000, $0x38;
	[tilespmem:$0x18200] =	vst v63  }
0x2d0: {  	_ =	swait.ge [sflag:s7], $0x8000  }
0x2d1: {  	[sflag:s7] =	ssyncset.done $0x0  }
0x2d2: {  	[sflag:s7] =	ssyncadd.s32 $0xFFFF8000  }
0x2d3: {  	v3 =	vld [tilespmem:$0x180];
	_ =	sdelay $0x4  }
0x2d4: {  	v48 =	vshll.u32 v3, $0x1  }
0x2d5: {  	v3 =	vand.u32 $0x7, v3;
	v4 =	vand.u32 $0xFFFFFFF0, v48  }
0x2d6: {  	v3 =	vor.u32 v3, v4  }
0x2d7: {  	v4 =	vperm.xlane v3, v0;
	_ =	sdelay $0x1  }
0x2d8: {  	v3 =	vperm.xlane v3, v2;
	v4 =	vadd.s32 v1, v4;
	_ =	sdelay $0x1  }
0x2d9: {  	v3 =	vadd.s32 v1, v3;
	_ =	sdelay $0x2  }
0x2da: {  	[tilespmem:s3], [sflag:$0x1] =	stream.indirect_vreg.gather [hbm4b:s1+s4], $0x80, v4, vm0, $0xb8;
	[tilespmem:$0x18200] =	vst v63  }
0x2db: {  	s14 =	simm.s32 $0xA00  }
0x2dc: {  	[tilespmem:s14], [sflag:$0x1] =	stream.indirect_vreg.gather [hbm4b:s1+s4], $0x80, v3, vm0, $0xb8;
	[tilespmem:$0x18200] =	vst v63  }
0x2dd: {  	v3 =	vld [tilespmem:$0x190];
	_ =	sdelay $0x4  }
0x2de: {  	v49 =	vshll.u32 v3, $0x1  }
0x2df: {  	v3 =	vand.u32 $0x7, v3;
	v4 =	vand.u32 $0xFFFFFFF0, v49  }
0x2e0: {  	v3 =	vor.u32 v3, v4  }
0x2e1: {  	v4 =	vperm.xlane v3, v0;
	_ =	sdelay $0x1  }
0x2e2: {  	v3 =	vperm.xlane v3, v2;
	v4 =	vadd.s32 v1, v4;
	_ =	sdelay $0x1  }
0x2e3: {  	v3 =	vadd.s32 v1, v3;
	_ =	sdelay $0x1  }
0x2e4: {  	s8 =	simm.s32 $0x1200  }
0x2e5: {  	[tilespmem:s8], [sflag:$0x1] =	stream.indirect_vreg.gather [hbm4b:s1+s4], $0x80, v4, vm0, $0xb8;
	[tilespmem:$0x18200] =	vst v63  }
0x2e6: {  	_ = 	snop  }
0x2e7: {  	[tilespmem:s0], [sflag:$0x1] =	stream.indirect_vreg.gather [hbm4b:s1+s4], $0x80, v3, vm0, $0xb8;
	[tilespmem:$0x18200] =	vst v63  }
0x2e8: {  	v3 =	vld [tilespmem:$0x1A0];
	_ =	sdelay $0x4  }
0x2e9: {  	v50 =	vshll.u32 v3, $0x1  }
0x2ea: {  	v3 =	vand.u32 $0x7, v3;
	v4 =	vand.u32 $0xFFFFFFF0, v50  }
0x2eb: {  	v3 =	vor.u32 v3, v4  }
0x2ec: {  	v4 =	vperm.xlane v3, v0;
	_ =	sdelay $0x1  }
0x2ed: {  	v3 =	vperm.xlane v3, v2;
	v4 =	vadd.s32 v1, v4;
	_ =	sdelay $0x1  }
0x2ee: {  	v3 =	vadd.s32 v1, v3;
	_ =	sdelay $0x1  }
0x2ef: {  	s8 =	simm.s32 $0x2200  }
0x2f0: {  	[tilespmem:s8], [sflag:$0x1] =	stream.indirect_vreg.gather [hbm4b:s1+s4], $0x80, v4, vm0, $0xb8;
	[tilespmem:$0x18200] =	vst v63  }
0x2f1: {  	s14 =	simm.s32 $0x2A00  }
0x2f2: {  	[tilespmem:s14], [sflag:$0x1] =	stream.indirect_vreg.gather [hbm4b:s1+s4], $0x80, v3, vm0, $0xb8;
	[tilespmem:$0x18200] =	vst v63  }
0x2f3: {  	v3 =	vld [tilespmem:$0x1B0];
	_ =	sdelay $0x4  }
0x2f4: {  	v51 =	vshll.u32 v3, $0x1  }
0x2f5: {  	v3 =	vand.u32 $0x7, v3;
	v4 =	vand.u32 $0xFFFFFFF0, v51  }
0x2f6: {  	v3 =	vor.u32 v3, v4  }
0x2f7: {  	v4 =	vperm.xlane v3, v0;
	_ =	sdelay $0x1  }
0x2f8: {  	v3 =	vperm.xlane v3, v2;
	v4 =	vadd.s32 v1, v4;
	_ =	sdelay $0x1  }
0x2f9: {  	v3 =	vadd.s32 v1, v3;
	_ =	sdelay $0x1  }
0x2fa: {  	s23 =	simm.s32 $0x3200  }
0x2fb: {  	[tilespmem:s23], [sflag:$0x1] =	stream.indirect_vreg.gather [hbm4b:s1+s4], $0x80, v4, vm0, $0xb8;
	[tilespmem:$0x18200] =	vst v63  }
0x2fc: {  	s23 =	simm.s32 $0x3A00  }
0x2fd: {  	[tilespmem:s23], [sflag:$0x1] =	stream.indirect_vreg.gather [hbm4b:s1+s4], $0x80, v3, vm0, $0xb8;
	[tilespmem:$0x18200] =	vst v63  }
0x2fe: {  	v3 =	vld [tilespmem:$0x180];
	_ =	sdelay $0x4  }
0x2ff: {  	v52 =	vshll.u32 v3, $0x2  }
0x300: {  	v3 =	vand.u32 $0x7, v3;
	v4 =	vand.u32 $0xFFFFFFE0, v52  }
0x301: {  	v3 =	vor.u32 v3, v4  }
0x302: {  	v4 =	vperm.xlane v3, v0;
	_ =	sdelay $0x1  }
0x303: {  	v4 =	vadd.s32 v1, v4;
	_ =	sdelay $0x1  }
0x304: {  	v3 =	vperm.xlane v3, v2;
	_ =	sdelay $0x1  }
0x305: {  	v3 =	vadd.s32 v1, v3  }
0x306: {  	[tilespmem:s22], [sflag:$0x3] =	stream.indirect_vreg.gather [hbm4b:s2+s4], $0x80, v4, vm0, $0xb8;
	[tilespmem:$0x18200] =	vst v63  }
0x307: {  	s24 =	simm.s32 $0x8A00  }
0x308: {  	[tilespmem:s24], [sflag:$0x3] =	stream.indirect_vreg.gather [hbm4b:s5+s4], $0x80, v4, vm0, $0xb8;
	[tilespmem:$0x18200] =	vst v63  }
0x309: {  	s25 =	simm.s32 $0x9200  }
0x30a: {  	[tilespmem:s25], [sflag:$0x3] =	stream.indirect_vreg.gather [hbm4b:s2+s4], $0x80, v3, vm0, $0xb8;
	[tilespmem:$0x18200] =	vst v63  }
0x30b: {  	s8 =	simm.s32 $0x9A00  }
0x30c: {  	[tilespmem:s8], [sflag:$0x3] =	stream.indirect_vreg.gather [hbm4b:s5+s4], $0x80, v3, vm0, $0xb8;
	[tilespmem:$0x18200] =	vst v63  }
0x30d: {  	v3 =	vld [tilespmem:$0x190];
	_ =	sdelay $0x4  }
0x30e: {  	v53 =	vshll.u32 v3, $0x2  }
0x30f: {  	v3 =	vand.u32 $0x7, v3;
	v4 =	vand.u32 $0xFFFFFFE0, v53  }
0x310: {  	v3 =	vor.u32 v3, v4  }
0x311: {  	v4 =	vperm.xlane v3, v0;
	_ =	sdelay $0x1  }
0x312: {  	v4 =	vadd.s32 v1, v4;
	_ =	sdelay $0x1  }
0x313: {  	v3 =	vperm.xlane v3, v2;
	_ =	sdelay $0x1  }
0x314: {  	s26 =	simm.s32 $0xA200;
	v3 =	vadd.s32 v1, v3  }
0x315: {  	[tilespmem:s26], [sflag:$0x3] =	stream.indirect_vreg.gather [hbm4b:s2+s4], $0x80, v4, vm0, $0xb8;
	[tilespmem:$0x18200] =	vst v63  }
0x316: {  	s28 =	simm.s32 $0xAA00  }
0x317: {  	[tilespmem:s28], [sflag:$0x3] =	stream.indirect_vreg.gather [hbm4b:s5+s4], $0x80, v4, vm0, $0xb8;
	[tilespmem:$0x18200] =	vst v63  }
0x318: {  	s29 =	simm.s32 $0xB200  }
0x319: {  	[tilespmem:s29], [sflag:$0x3] =	stream.indirect_vreg.gather [hbm4b:s2+s4], $0x80, v3, vm0, $0xb8;
	[tilespmem:$0x18200] =	vst v63  }
0x31a: {  	s14 =	simm.s32 $0xBA00  }
0x31b: {  	[tilespmem:s14], [sflag:$0x3] =	stream.indirect_vreg.gather [hbm4b:s5+s4], $0x80, v3, vm0, $0xb8;
	[tilespmem:$0x18200] =	vst v63  }
0x31c: {  	v3 =	vld [tilespmem:$0x1A0];
	_ =	sdelay $0x4  }
0x31d: {  	v54 =	vshll.u32 v3, $0x2  }
0x31e: {  	v3 =	vand.u32 $0x7, v3;
	v4 =	vand.u32 $0xFFFFFFE0, v54  }
0x31f: {  	v3 =	vor.u32 v3, v4  }
0x320: {  	v4 =	vperm.xlane v3, v0;
	_ =	sdelay $0x1  }
0x321: {  	v4 =	vadd.s32 v1, v4;
	_ =	sdelay $0x1  }
0x322: {  	v3 =	vperm.xlane v3, v2;
	_ =	sdelay $0x1  }
0x323: {  	s30 =	simm.s32 $0xC200;
	v3 =	vadd.s32 v1, v3  }
0x324: {  	[tilespmem:s30], [sflag:$0x3] =	stream.indirect_vreg.gather [hbm4b:s2+s4], $0x80, v4, vm0, $0xb8;
	[tilespmem:$0x18200] =	vst v63  }
0x325: {  	s9 =	simm.s32 $0xCA00  }
0x326: {  	[tilespmem:s9], [sflag:$0x3] =	stream.indirect_vreg.gather [hbm4b:s5+s4], $0x80, v4, vm0, $0xb8;
	[tilespmem:$0x18200] =	vst v63  }
0x327: {  	s15 =	simm.s32 $0xD200  }
0x328: {  	[tilespmem:s15], [sflag:$0x3] =	stream.indirect_vreg.gather [hbm4b:s2+s4], $0x80, v3, vm0, $0xb8;
	[tilespmem:$0x18200] =	vst v63  }
0x329: {  	s21 =	simm.s32 $0xDA00  }
0x32a: {  	[tilespmem:s21], [sflag:$0x3] =	stream.indirect_vreg.gather [hbm4b:s5+s4], $0x80, v3, vm0, $0xb8;
	[tilespmem:$0x18200] =	vst v63  }
0x32b: {  	v3 =	vld [tilespmem:$0x1B0];
	_ =	sdelay $0x4  }
0x32c: {  	v55 =	vshll.u32 v3, $0x2  }
0x32d: {  	v3 =	vand.u32 $0x7, v3;
	v4 =	vand.u32 $0xFFFFFFE0, v55  }
0x32e: {  	v3 =	vor.u32 v3, v4  }
0x32f: {  	v4 =	vperm.xlane v3, v0;
	_ =	sdelay $0x1  }
0x330: {  	v4 =	vadd.s32 v1, v4;
	_ =	sdelay $0x1  }
0x331: {  	v3 =	vperm.xlane v3, v2;
	_ =	sdelay $0x1  }
0x332: {  	s18 =	simm.s32 $0xE200;
	v3 =	vadd.s32 v1, v3  }
0x333: {  	[tilespmem:s18], [sflag:$0x3] =	stream.indirect_vreg.gather [hbm4b:s2+s4], $0x80, v4, vm0, $0xb8;
	[tilespmem:$0x18200] =	vst v63  }
0x334: {  	s19 =	simm.s32 $0xEA00  }
0x335: {  	[tilespmem:s19], [sflag:$0x3] =	stream.indirect_vreg.gather [hbm4b:s5+s4], $0x80, v4, vm0, $0xb8;
	[tilespmem:$0x18200] =	vst v63  }
0x336: {  	s20 =	simm.s32 $0xF200  }
0x337: {  	[tilespmem:s20], [sflag:$0x3] =	stream.indirect_vreg.gather [hbm4b:s2+s4], $0x80, v3, vm0, $0xb8;
	[tilespmem:$0x18200] =	vst v63  }
0x338: {  	s18 =	simm.s32 $0xFA00  }
0x339: {  	[tilespmem:s18], [sflag:$0x3] =	stream.indirect_vreg.gather [hbm4b:s5+s4], $0x80, v3, vm0, $0xb8;
	[tilespmem:$0x18200] =	vst v63  }
0x33a: {  	_ =	swait.ge [sflag:s12], $0x4000  }
0x33b: {  	[sflag:s12] =	ssyncset.done $0x0  }
0x33c: {  	s19 =	rddreg [dreg:$0x11];
	[sflag:s12] =	ssyncadd.s32 $0xFFFFC000  }
0x33d: {  	[hbm4b:s19+s4] =	stream.linear.scatter [tilespmem:s17], [sflag:$0x5], $0x4000, $0x38;
	[tilespmem:$0x18200] =	vst v63  }
0x33e: {  	_ =	swait.ge [sflag:s7], $0x4000  }
0x33f: {  	[sflag:s7] =	ssyncset.done $0x0  }
0x340: {  	[sflag:s7] =	ssyncadd.s32 $0xFFFFC000  }
0x341: {  	_ =	swait.ge [sflag:s13], $0x8000  }
0x342: {  	[sflag:s13] =	ssyncset.done $0x0  }
0x343: {  	s20 =	rddreg [dreg:$0x12];
	[sflag:s13] =	ssyncadd.s32 $0xFFFF8000  }
0x344: {  	[hbm4b:s20+s4] =	stream.linear.scatter [tilespmem:s16], [sflag:$0x5], $0x8000, $0x38;
	[tilespmem:$0x18200] =	vst v63  }
0x345: {  	_ =	swait.ge [sflag:s7], $0x8000  }
0x346: {  	[sflag:s7] =	ssyncset.done $0x0  }
0x347: {  	[sflag:s7] =	ssyncadd.s32 $0xFFFF8000  }
0x348: {  	v3 =	vld [tilespmem:$0x1C0];
	_ =	sdelay $0x4  }
0x349: {  	v56 =	vshll.u32 v3, $0x1  }
0x34a: {  	v3 =	vand.u32 $0x7, v3;
	v4 =	vand.u32 $0xFFFFFFF0, v56  }
0x34b: {  	v3 =	vor.u32 v3, v4  }
0x34c: {  	v4 =	vperm.xlane v3, v0;
	_ =	sdelay $0x1  }
0x34d: {  	v3 =	vperm.xlane v3, v2;
	v4 =	vadd.s32 v1, v4;
	_ =	sdelay $0x1  }
0x34e: {  	v3 =	vadd.s32 v1, v3;
	_ =	sdelay $0x2  }
0x34f: {  	[tilespmem:s17], [sflag:$0x2] =	stream.indirect_vreg.gather [hbm4b:s1+s4], $0x80, v4, vm0, $0xb8;
	[tilespmem:$0x18200] =	vst v63  }
0x350: {  	s21 =	simm.s32 $0x4A00  }
0x351: {  	[tilespmem:s21], [sflag:$0x2] =	stream.indirect_vreg.gather [hbm4b:s1+s4], $0x80, v3, vm0, $0xb8;
	[tilespmem:$0x18200] =	vst v63  }
0x352: {  	v3 =	vld [tilespmem:$0x1D0];
	_ =	sdelay $0x4  }
0x353: {  	v57 =	vshll.u32 v3, $0x1  }
0x354: {  	v3 =	vand.u32 $0x7, v3;
	v4 =	vand.u32 $0xFFFFFFF0, v57  }
0x355: {  	v3 =	vor.u32 v3, v4  }
0x356: {  	v4 =	vperm.xlane v3, v0;
	_ =	sdelay $0x1  }
0x357: {  	v3 =	vperm.xlane v3, v2;
	v4 =	vadd.s32 v1, v4;
	_ =	sdelay $0x1  }
0x358: {  	v3 =	vadd.s32 v1, v3;
	_ =	sdelay $0x1  }
0x359: {  	s31 =	simm.s32 $0x5200  }
0x35a: {  	[tilespmem:s31], [sflag:$0x2] =	stream.indirect_vreg.gather [hbm4b:s1+s4], $0x80, v4, vm0, $0xb8;
	[tilespmem:$0x18200] =	vst v63  }
0x35b: {  	s23 =	simm.s32 $0x5A00  }
0x35c: {  	[tilespmem:s23], [sflag:$0x2] =	stream.indirect_vreg.gather [hbm4b:s1+s4], $0x80, v3, vm0, $0xb8;
	[tilespmem:$0x18200] =	vst v63  }
0x35d: {  	v3 =	vld [tilespmem:$0x1E0];
	_ =	sdelay $0x4  }
0x35e: {  	v58 =	vshll.u32 v3, $0x1  }
0x35f: {  	v3 =	vand.u32 $0x7, v3;
	v4 =	vand.u32 $0xFFFFFFF0, v58  }
0x360: {  	v3 =	vor.u32 v3, v4  }
0x361: {  	v4 =	vperm.xlane v3, v0;
	_ =	sdelay $0x1  }
0x362: {  	v3 =	vperm.xlane v3, v2;
	v4 =	vadd.s32 v1, v4;
	_ =	sdelay $0x1  }
0x363: {  	v3 =	vadd.s32 v1, v3;
	_ =	sdelay $0x1  }
0x364: {  	s24 =	simm.s32 $0x6200  }
0x365: {  	[tilespmem:s24], [sflag:$0x2] =	stream.indirect_vreg.gather [hbm4b:s1+s4], $0x80, v4, vm0, $0xb8;
	[tilespmem:$0x18200] =	vst v63  }
0x366: {  	s25 =	simm.s32 $0x6A00  }
0x367: {  	[tilespmem:s25], [sflag:$0x2] =	stream.indirect_vreg.gather [hbm4b:s1+s4], $0x80, v3, vm0, $0xb8;
	[tilespmem:$0x18200] =	vst v63  }
0x368: {  	v3 =	vld [tilespmem:$0x1F0];
	_ =	sdelay $0x4  }
0x369: {  	v59 =	vshll.u32 v3, $0x1  }
0x36a: {  	v3 =	vand.u32 $0x7, v3;
	v4 =	vand.u32 $0xFFFFFFF0, v59  }
0x36b: {  	v3 =	vor.u32 v3, v4  }
0x36c: {  	v4 =	vperm.xlane v3, v0;
	_ =	sdelay $0x1  }
0x36d: {  	v3 =	vperm.xlane v3, v2;
	v4 =	vadd.s32 v1, v4;
	_ =	sdelay $0x1  }
0x36e: {  	v3 =	vadd.s32 v1, v3;
	_ =	sdelay $0x1  }
0x36f: {  	s26 =	simm.s32 $0x7200  }
0x370: {  	[tilespmem:s26], [sflag:$0x2] =	stream.indirect_vreg.gather [hbm4b:s1+s4], $0x80, v4, vm0, $0xb8;
	[tilespmem:$0x18200] =	vst v63  }
0x371: {  	s28 =	simm.s32 $0x7A00  }
0x372: {  	[tilespmem:s28], [sflag:$0x2] =	stream.indirect_vreg.gather [hbm4b:s1+s4], $0x80, v3, vm0, $0xb8;
	[tilespmem:$0x18200] =	vst v63  }
0x373: {  	v3 =	vld [tilespmem:$0x1C0];
	_ =	sdelay $0x4  }
0x374: {  	v60 =	vshll.u32 v3, $0x2  }
0x375: {  	v3 =	vand.u32 $0x7, v3;
	v4 =	vand.u32 $0xFFFFFFE0, v60  }
0x376: {  	v3 =	vor.u32 v3, v4  }
0x377: {  	v4 =	vperm.xlane v3, v0;
	_ =	sdelay $0x1  }
0x378: {  	v4 =	vadd.s32 v1, v4;
	_ =	sdelay $0x1  }
0x379: {  	v3 =	vperm.xlane v3, v2;
	_ =	sdelay $0x1  }
0x37a: {  	v3 =	vadd.s32 v1, v3  }
0x37b: {  	[tilespmem:s16], [sflag:$0x4] =	stream.indirect_vreg.gather [hbm4b:s2+s4], $0x80, v4, vm0, $0xb8;
	[tilespmem:$0x18200] =	vst v63  }
0x37c: {  	s29 =	simm.s32 $0x10A00  }
0x37d: {  	[tilespmem:s29], [sflag:$0x4] =	stream.indirect_vreg.gather [hbm4b:s5+s4], $0x80, v4, vm0, $0xb8;
	[tilespmem:$0x18200] =	vst v63  }
0x37e: {  	s30 =	simm.s32 $0x11200  }
0x37f: {  	[tilespmem:s30], [sflag:$0x4] =	stream.indirect_vreg.gather [hbm4b:s2+s4], $0x80, v3, vm0, $0xb8;
	[tilespmem:$0x18200] =	vst v63  }
0x380: {  	s31 =	simm.s32 $0x11A00  }
0x381: {  	[tilespmem:s31], [sflag:$0x4] =	stream.indirect_vreg.gather [hbm4b:s5+s4], $0x80, v3, vm0, $0xb8;
	[tilespmem:$0x18200] =	vst v63  }
0x382: {  	v3 =	vld [tilespmem:$0x1D0];
	_ =	sdelay $0x4  }
0x383: {  	v61 =	vshll.u32 v3, $0x2  }
0x384: {  	v3 =	vand.u32 $0x7, v3;
	v4 =	vand.u32 $0xFFFFFFE0, v61  }
0x385: {  	v3 =	vor.u32 v3, v4  }
0x386: {  	v4 =	vperm.xlane v3, v0;
	_ =	sdelay $0x1  }
0x387: {  	v4 =	vadd.s32 v1, v4;
	_ =	sdelay $0x1  }
0x388: {  	v3 =	vperm.xlane v3, v2;
	_ =	sdelay $0x1  }
0x389: {  	s8 =	simm.s32 $0x12200;
	v3 =	vadd.s32 v1, v3  }
0x38a: {  	[tilespmem:s8], [sflag:$0x4] =	stream.indirect_vreg.gather [hbm4b:s2+s4], $0x80, v4, vm0, $0xb8;
	[tilespmem:$0x18200] =	vst v63  }
0x38b: {  	s9 =	simm.s32 $0x12A00  }
0x38c: {  	[tilespmem:s9], [sflag:$0x4] =	stream.indirect_vreg.gather [hbm4b:s5+s4], $0x80, v4, vm0, $0xb8;
	[tilespmem:$0x18200] =	vst v63  }
0x38d: {  	s14 =	simm.s32 $0x13200  }
0x38e: {  	[tilespmem:s14], [sflag:$0x4] =	stream.indirect_vreg.gather [hbm4b:s2+s4], $0x80, v3, vm0, $0xb8;
	[tilespmem:$0x18200] =	vst v63  }
0x38f: {  	s15 =	simm.s32 $0x13A00  }
0x390: {  	[tilespmem:s15], [sflag:$0x4] =	stream.indirect_vreg.gather [hbm4b:s5+s4], $0x80, v3, vm0, $0xb8;
	[tilespmem:$0x18200] =	vst v63  }
0x391: {  	v3 =	vld [tilespmem:$0x1E0];
	_ =	sdelay $0x4  }
0x392: {  	v62 =	vshll.u32 v3, $0x2  }
0x393: {  	v3 =	vand.u32 $0x7, v3;
	v4 =	vand.u32 $0xFFFFFFE0, v62  }
0x394: {  	v3 =	vor.u32 v3, v4  }
0x395: {  	v4 =	vperm.xlane v3, v0;
	_ =	sdelay $0x1  }
0x396: {  	v4 =	vadd.s32 v1, v4;
	_ =	sdelay $0x1  }
0x397: {  	v3 =	vperm.xlane v3, v2;
	_ =	sdelay $0x1  }
0x398: {  	s18 =	simm.s32 $0x14200;
	v3 =	vadd.s32 v1, v3  }
0x399: {  	[tilespmem:s18], [sflag:$0x4] =	stream.indirect_vreg.gather [hbm4b:s2+s4], $0x80, v4, vm0, $0xb8;
	[tilespmem:$0x18200] =	vst v63  }
0x39a: {  	s19 =	simm.s32 $0x14A00  }
0x39b: {  	[tilespmem:s19], [sflag:$0x4] =	stream.indirect_vreg.gather [hbm4b:s5+s4], $0x80, v4, vm0, $0xb8;
	[tilespmem:$0x18200] =	vst v63  }
0x39c: {  	s20 =	simm.s32 $0x15200  }
0x39d: {  	[tilespmem:s20], [sflag:$0x4] =	stream.indirect_vreg.gather [hbm4b:s2+s4], $0x80, v3, vm0, $0xb8;
	[tilespmem:$0x18200] =	vst v63  }
0x39e: {  	s21 =	simm.s32 $0x15A00  }
0x39f: {  	[tilespmem:s21], [sflag:$0x4] =	stream.indirect_vreg.gather [hbm4b:s5+s4], $0x80, v3, vm0, $0xb8;
	[tilespmem:$0x18200] =	vst v63  }
0x3a0: {  	v3 =	vld [tilespmem:$0x1F0];
	_ =	sdelay $0x4  }
0x3a1: {  	v63 =	vshll.u32 v3, $0x2  }
0x3a2: {  	v3 =	vand.u32 $0x7, v3;
	v4 =	vand.u32 $0xFFFFFFE0, v63  }
0x3a3: {  	v3 =	vor.u32 v3, v4  }
0x3a4: {  	v4 =	vperm.xlane v3, v0;
	_ =	sdelay $0x1  }
0x3a5: {  	v4 =	vadd.s32 v1, v4;
	_ =	sdelay $0x1  }
0x3a6: {  	v3 =	vperm.xlane v3, v2;
	_ =	sdelay $0x1  }
0x3a7: {  	s23 =	simm.s32 $0x16200;
	v3 =	vadd.s32 v1, v3  }
0x3a8: {  	[tilespmem:s23], [sflag:$0x4] =	stream.indirect_vreg.gather [hbm4b:s2+s4], $0x80, v4, vm0, $0xb8;
	[tilespmem:$0x18200] =	vst v63  }
0x3a9: {  	s24 =	simm.s32 $0x16A00  }
0x3aa: {  	[tilespmem:s24], [sflag:$0x4] =	stream.indirect_vreg.gather [hbm4b:s5+s4], $0x80, v4, vm0, $0xb8;
	[tilespmem:$0x18200] =	vst v63  }
0x3ab: {  	s25 =	simm.s32 $0x17200  }
0x3ac: {  	[tilespmem:s25], [sflag:$0x4] =	stream.indirect_vreg.gather [hbm4b:s2+s4], $0x80, v3, vm0, $0xb8;
	[tilespmem:$0x18200] =	vst v63  }
0x3ad: {  	s26 =	simm.s32 $0x17A00  }
0x3ae: {  	[tilespmem:s26], [sflag:$0x4] =	stream.indirect_vreg.gather [hbm4b:s5+s4], $0x80, v3, vm0, $0xb8;
	[tilespmem:$0x18200] =	vst v63  }
0x3af: {  	_ =	swait.ge [sflag:s10], $0x4000  }
0x3b0: {  	[sflag:s10] =	ssyncset.done $0x0  }
0x3b1: {  	s3 =	simm.s32 $0x200;
	s28 =	rddreg [dreg:$0x13];
	[sflag:s10] =	ssyncadd.s32 $0xFFFFC000  }
0x3b2: {  	[hbm4b:s28+s4] =	stream.linear.scatter [tilespmem:s3], [sflag:$0x5], $0x4000, $0x38;
	[tilespmem:$0x18200] =	vst v63  }
0x3b3: {  	_ =	swait.ge [sflag:s7], $0x4000  }
0x3b4: {  	[sflag:s7] =	ssyncset.done $0x0  }
0x3b5: {  	[sflag:s7] =	ssyncadd.s32 $0xFFFFC000  }
0x3b6: {  	_ =	swait.ge [sflag:s11], $0x8000  }
0x3b7: {  	[sflag:s11] =	ssyncset.done $0x0  }
0x3b8: {  	s29 =	rddreg [dreg:$0x14];
	[sflag:s11] =	ssyncadd.s32 $0xFFFF8000  }
0x3b9: {  	[hbm4b:s29+s4] =	stream.linear.scatter [tilespmem:s22], [sflag:$0x5], $0x8000, $0x38;
	[tilespmem:$0x18200] =	vst v63  }
0x3ba: {  	_ =	swait.ge [sflag:s7], $0x8000  }
0x3bb: {  	[sflag:s7] =	ssyncset.done $0x0  }
0x3bc: {  	[sflag:s7] =	ssyncadd.s32 $0xFFFF8000  }
0x3bd: {  	_ =	swait.ge [sflag:s12], $0x4000  }
0x3be: {  	[sflag:s12] =	ssyncset.done $0x0  }
0x3bf: {  	s30 =	rddreg [dreg:$0x15];
	[sflag:s12] =	ssyncadd.s32 $0xFFFFC000  }
0x3c0: {  	[hbm4b:s30+s4] =	stream.linear.scatter [tilespmem:s17], [sflag:$0x5], $0x4000, $0x38;
	[tilespmem:$0x18200] =	vst v63  }
0x3c1: {  	_ =	swait.ge [sflag:s7], $0x4000  }
0x3c2: {  	[sflag:s7] =	ssyncset.done $0x0  }
0x3c3: {  	[sflag:s7] =	ssyncadd.s32 $0xFFFFC000  }
0x3c4: {  	_ =	swait.ge [sflag:s13], $0x8000  }
0x3c5: {  	p0 =	sne.s32 s6, $0x1;
	[sflag:s13] =	ssyncset.done $0x0  }
.Ltmp0:
0x3c6: {  	s31 =	rddreg [dreg:$0x16];
	[sflag:s13] =	ssyncadd.s32 $0xFFFF8000;
	(pc) =	sbr.rel @p0 .LBB2_1-.Ltmp0, $4  }
0x3c7: {  	[hbm4b:s31+s4] =	stream.linear.scatter [tilespmem:s16], [sflag:$0x5], $0x8000, $0x38;
	[tilespmem:$0x18200] =	vst v63  }
0x3c8: {  	_ =	swait.ge [sflag:s7], $0x8000  }
0x3c9: {  	[sflag:s7] =	ssyncset.done $0x0  }
0x3ca: {  	s6 =	sadd.s32 $0xFFFFFFFF, s6;
	[sflag:s7] =	ssyncadd.s32 $0xFFFF8000  }
0x3cb: {  	_ =	sfence.sel $0x180000  }
0x3cc: {  	[bflag:$0x0] =	sbarrier.arrive $0xFFFF  }
0x3cd: {  	_ =	strace $0x90000047  }
0x3ce: {  	s0 =	stileid.u32;
	[bflag:$0x2] =	sbarrier.arrive $0xFFFF  }
0x3cf: {  	p0 =	sne.s32 s0, $0x0;
	s0 =	rddreg [dreg:$0x5]  }
0x3d0: {  	s0 =	sadd.s32 @!p0 $0x100000, s0  }
0x3d1: {  	[sflag:s0] =	ssyncadd.tile.s32 @!p0 $0x1;
	_ =	shalt  }
.Lfunc_end2:
_tile_overlayer_lowered:
.L_overlay_start_2:
0x3d2: {  	(tag) =	ssettag $0x2  }
0x3d3: {  	s0 =	rddreg [dreg:$0x0];
	s2 =	stileid.u32  }
0x3d4: {  	s1 =	rddreg [dreg:$0x1];
	p0 =	sne.s32 s2, $0x0  }
0x3d5: {  	s3 =	rddreg [dreg:$0x2];
	[bflag:$0x3] =	sbarrier.arrive $0xFFFF;
	s2 =	simm.s32 @!p0 $0x1C05  }
0x3d6: {  	[timem:s3], [sflag:s2] =	dma.local @!p0 [hbm:s0], s1  }
0x3d7: {  	s0 =	simm.s32 @!p0 $0x5  }
0x3d8: {  	_ =	swait.ge @!p0 [sflag:s0], s1  }
0x3d9: {  	s1 =	ssub.s32 @!p0 $0x0, s1;
	[sflag:s0] =	ssyncset.done @!p0 $0x0  }
0x3da: {  	[sflag:s0] =	ssyncadd.s32 @!p0 s1  }
0x3db: {  	[bflag:$0x3] =	sbarrier.arrive $0xFFFF  }
0x3dc: {  	_ =	shalt  }

</sc_bundles>
